<compile_context>
chip_gen: v7x
topology: tpu7x:2x2x1
jax: 0.10.2.dev20260603
libtpu: 0.0.44.dev20260713+nightly
codegen_flags: <defaults>
</compile_context>

<pallas_src>
import functools

import jax
import jax.numpy as jnp
from jax import lax
from jax.experimental import pallas as pl
from jax.experimental.pallas import tpu as pltpu
from jax.experimental.pallas import tpu_sc as plsc

B = 32
N = 100
C = 34
HW = 128 * 128
K = N * C
KP = 3456
NPAD = 128
CHUNK = 128
NCHUNK = KP // CHUNK
NGROUP = 3
GCHUNK = NCHUNK // NGROUP
GELEM = GCHUNK * CHUNK


@functools.partial(
    pl.kernel,
    out_type=jax.ShapeDtypeStruct((B, 128), jnp.float32),
    mesh=plsc.VectorSubcoreMesh(core_axis_name="c", subcore_axis_name="s"),
    compiler_params=pltpu.CompilerParams(needs_layout_passes=False),
    scratch_types=[
        pltpu.VMEM((NPAD,), jnp.int32),
        pltpu.VMEM((KP,), jnp.int32),
        pltpu.VMEM((KP,), jnp.float32),
        pltpu.VMEM((KP,), jnp.float32),
        pltpu.VMEM((KP,), jnp.float32),
        pltpu.VMEM((KP,), jnp.float32),
        pltpu.VMEM((KP,), jnp.float32),
        pltpu.VMEM((128,), jnp.float32),
        pltpu.SemaphoreType.DMA,
        pltpu.SemaphoreType.DMA,
        pltpu.SemaphoreType.DMA,
        pltpu.SemaphoreType.DMA,
        pltpu.SemaphoreType.DMA,
    ],
)
def _sc_loss(feat_hbm, ind_hbm, tgt_hbm, msk_hbm, out_hbm,
             ind_v, idx_v, pred_v, tgt_v, msk_v, dummy1, dummy2, out_v,
             sg0, sg1, sg2, sem_ind, sem_in):
    b = lax.axis_index("s") * 2 + lax.axis_index("c")
    lane = lax.iota(jnp.int32, 16)
    zf = jnp.zeros((16,), jnp.float32)
    cvec = jnp.full((16,), C, jnp.int32)
    nmax = jnp.full((16,), N - 1, jnp.int32)
    groups = (sg0, sg1, sg2)

    pltpu.async_copy(ind_hbm.at[b], ind_v, sem_ind)
    pltpu.async_copy(tgt_hbm.at[b], tgt_v, sem_in)
    pltpu.async_copy(msk_hbm.at[b], msk_v, sem_in)
    pltpu.make_async_copy(ind_hbm.at[b], ind_v, sem_ind).wait()

    bbase = b * (C * HW)

    def make_build_fire(sem):
        def build_fire(m, _):
            coff = pl.multiple_of(m * CHUNK, CHUNK)
            for j in range(CHUNK // 16):
                p = lane + (coff + j * 16)
                n = lax.div(p, cvec)
                c = p - n * cvec
                n = jnp.minimum(n, nmax)
                base = plsc.load_gather(ind_v, [n])
                idx_v[pl.ds(coff + j * 16, 16)] = bbase + c * HW + base
            pltpu.async_copy(
                feat_hbm.at[idx_v.at[pl.ds(coff, CHUNK)]],
                pred_v.at[pl.ds(coff, CHUNK)],
                sem,
            )
            return 0
        return build_fire

    for g in range(NGROUP):
        lax.fori_loop(g * GCHUNK, (g + 1) * GCHUNK, make_build_fire(groups[g]), 0)

    pltpu.make_async_copy(tgt_hbm.at[b], tgt_v, sem_in).wait()
    pltpu.make_async_copy(msk_hbm.at[b], msk_v, sem_in).wait()

    def body(k, carry):
        accn, accd = carry
        o = pl.multiple_of(k * 16, 16)
        pv = pred_v[pl.ds(o, 16)]
        tv = tgt_v[pl.ds(o, 16)]
        mv = msk_v[pl.ds(o, 16)]
        accn = accn + jnp.abs(pv - tv) * mv
        accd = accd + mv
        return accn, accd

    accn, accd = zf, zf
    for g in range(NGROUP):
        pltpu.make_async_copy(
            feat_hbm.at[pl.ds(0, GELEM)],
            pred_v.at[pl.ds(g * GELEM, GELEM)],
            groups[g],
        ).wait()
        accn, accd = lax.fori_loop(
            g * (GELEM // 16), (g + 1) * (GELEM // 16), body, (accn, accd),
            unroll=4)

    out_v[pl.ds(0, 16)] = accn
    out_v[pl.ds(16, 16)] = accd
    pltpu.sync_copy(out_v, out_hbm.at[b])


def kernel(output, mask, ind, target):
    feat = output.reshape(-1)
    ind_p = jnp.pad(ind.astype(jnp.int32), ((0, 0), (0, NPAD - N)))
    tgt_p = jnp.pad(target.reshape(B, K), ((0, 0), (0, KP - K)))
    msk_p = jnp.pad(mask.reshape(B, K).astype(jnp.float32), ((0, 0), (0, KP - K)))
    parts = _sc_loss(feat, ind_p, tgt_p, msk_p)
    return jnp.sum(parts[:, 0:16]) / (jnp.sum(parts[:, 16:32]) + 0.0001)

# --- scband reference (transcript-rebuilt; emitter-appended) ---
"""Pipeline reference for scband-reg-weighted-l1-loss-coco-27479200759900 (READ-ONLY COPY).

The authoritative reference and input builder live on the scoring server;
editing this copy changes nothing except your own understanding.
"""

import jax, jax.numpy as jnp
import numpy as np


def _transpose_and_gather_feat(feat, ind):
    B, C, H, W = feat.shape
    feat = jnp.transpose(feat, (0, 2, 3, 1)).reshape(B, H * W, C)
    idx = jnp.broadcast_to(ind[:, :, None], (B, ind.shape[1], C))
    return jnp.take_along_axis(feat, idx, axis=1)


def setup_inputs(seed: int = 0) -> dict:
    key = jax.random.key(seed)
    k1, k2, k3, k4 = jax.random.split(key, 4)
    output = jax.random.normal(k1, (32, 34, 128, 128), dtype=jnp.float32)
    mask = jax.random.randint(k2, (32, 100, 34), 0, 2).astype(jnp.int32)
    ind = jax.random.randint(k3, (32, 100), 0, 128 * 128).astype(jnp.int64)
    target = jax.random.normal(k4, (32, 100, 34), dtype=jnp.float32)
    return {"output": output, "mask": mask, "ind": ind, "target": target}


def reference(output, mask, ind, target):
    # CenterNet-style keypoint regression L1 loss (with_bone=False path)
    pred = _transpose_and_gather_feat(output, ind)  # [B, N, C]
    maskf = mask.astype(jnp.float32)
    # F.l1_loss(..., size_average=False) == summed absolute error
    loss = jnp.sum(jnp.abs(pred * maskf - target * maskf))
    loss = loss / (jnp.sum(maskf) + 0.0001)
    return loss

if __name__ == "__main__":
    import jax
    _d = setup_inputs()
    print(jax.jit(kernel)(*tuple(_d.values())))

</pallas_src>

<mosaic_0001>
#map = affine_map<(d0, d1) -> (0)>
#map1 = affine_map<(d0, d1) -> (0, 0)>
module attributes {stable_mosaic.version = 14 : i64} {
  func.func @_sc_loss(%arg0: i32, %arg1: i32, %arg2: memref<17825792xf32, #tpu.memory_space<hbm>>, %arg3: memref<32x128xi32, #tpu.memory_space<hbm>>, %arg4: memref<32x3456xf32, #tpu.memory_space<hbm>>, %arg5: memref<32x3456xf32, #tpu.memory_space<hbm>>, %arg6: memref<32x128xf32, #tpu.memory_space<hbm>>, %arg7: memref<128xi32, #tpu.memory_space<vmem>>, %arg8: memref<3456xi32, #tpu.memory_space<vmem>>, %arg9: memref<3456xf32, #tpu.memory_space<vmem>>, %arg10: memref<3456xf32, #tpu.memory_space<vmem>>, %arg11: memref<3456xf32, #tpu.memory_space<vmem>>, %arg12: memref<3456xf32, #tpu.memory_space<vmem>>, %arg13: memref<3456xf32, #tpu.memory_space<vmem>>, %arg14: memref<128xf32, #tpu.memory_space<vmem>>, %arg15: memref<!tpu.dma_semaphore, #tpu.memory_space<semaphore_mem>>, %arg16: memref<!tpu.dma_semaphore, #tpu.memory_space<semaphore_mem>>, %arg17: memref<!tpu.dma_semaphore, #tpu.memory_space<semaphore_mem>>, %arg18: memref<!tpu.dma_semaphore, #tpu.memory_space<semaphore_mem>>, %arg19: memref<!tpu.dma_semaphore, #tpu.memory_space<semaphore_mem>>) attributes {dimension_semantics = [#tpu.dimension_semantics<core_parallel>, #tpu.dimension_semantics<subcore_parallel>], iteration_bounds = array<i64: 2, 16>, scalar_prefetch = 0 : i64, scratch_operands = 13 : i64, tpu.core_type = #tpu.core_type<sc_vector_subcore>, window_params = [{transform_indices = #map}, {transform_indices = #map1}, {transform_indices = #map1}, {transform_indices = #map1}, {transform_indices = #map1}]} {
    %mul3A = arith.constant 2 : i32
    %mul3A_0 = arith.muli %arg1, %mul3A : i32
    %add3A = arith.addi %mul3A_0, %arg0 : i32
    %iota3A = tpu.iota {dimensions = array<i32: 0>} : vector<16xi32>
    %broadcast_in_dim3A = arith.constant 0.000000e+00 : f32
    %broadcast_in_dim3A_1 = vector.broadcast %broadcast_in_dim3A : f32 to vector<16xf32>
    %broadcast_in_dim3A_2 = arith.constant 34 : i32
    %broadcast_in_dim3A_3 = vector.broadcast %broadcast_in_dim3A_2 : i32 to vector<16xi32>
    %broadcast_in_dim3A_4 = arith.constant 99 : i32
    %broadcast_in_dim3A_5 = vector.broadcast %broadcast_in_dim3A_4 : i32 to vector<16xi32>
    %dma_start3A = arith.constant 0 : i32
    %dma_start3A_6 = tpu.memref_slice %arg3[%add3A, %dma_start3A] : memref<32x128xi32, #tpu.memory_space<hbm>> -> memref<1x128xi32, #tpu.memory_space<hbm>>
    %dma_start3A_7 = tpu.memref_squeeze %dma_start3A_6 : memref<1x128xi32, #tpu.memory_space<hbm>> -> memref<128xi32, #tpu.memory_space<hbm>>
    %dma_start3A_8 = arith.constant 0 : i32
    %dma_start3A_9 = tpu.memref_slice %arg3[%add3A, %dma_start3A_8] : memref<32x128xi32, #tpu.memory_space<hbm>> -> memref<1x128xi32, #tpu.memory_space<hbm>>
    %dma_start3A_10 = tpu.memref_squeeze %dma_start3A_9 : memref<1x128xi32, #tpu.memory_space<hbm>> -> memref<128xi32, #tpu.memory_space<hbm>>
    tpu.enqueue_dma source(%dma_start3A_10 : memref<128xi32, #tpu.memory_space<hbm>>) target(%arg7 : memref<128xi32, #tpu.memory_space<vmem>>) target_semaphore(%arg18 : memref<!tpu.dma_semaphore, #tpu.memory_space<semaphore_mem>>)
    %dma_start3A_11 = arith.constant 0 : i32
    %dma_start3A_12 = tpu.memref_slice %arg4[%add3A, %dma_start3A_11] : memref<32x3456xf32, #tpu.memory_space<hbm>> -> memref<1x3456xf32, #tpu.memory_space<hbm>>
    %dma_start3A_13 = tpu.memref_squeeze %dma_start3A_12 : memref<1x3456xf32, #tpu.memory_space<hbm>> -> memref<3456xf32, #tpu.memory_space<hbm>>
    %dma_start3A_14 = arith.constant 0 : i32
    %dma_start3A_15 = tpu.memref_slice %arg4[%add3A, %dma_start3A_14] : memref<32x3456xf32, #tpu.memory_space<hbm>> -> memref<1x3456xf32, #tpu.memory_space<hbm>>
    %dma_start3A_16 = tpu.memref_squeeze %dma_start3A_15 : memref<1x3456xf32, #tpu.memory_space<hbm>> -> memref<3456xf32, #tpu.memory_space<hbm>>
    tpu.enqueue_dma source(%dma_start3A_16 : memref<3456xf32, #tpu.memory_space<hbm>>) target(%arg10 : memref<3456xf32, #tpu.memory_space<vmem>>) target_semaphore(%arg19 : memref<!tpu.dma_semaphore, #tpu.memory_space<semaphore_mem>>)
    %dma_start3A_17 = arith.constant 0 : i32
    %dma_start3A_18 = tpu.memref_slice %arg5[%add3A, %dma_start3A_17] : memref<32x3456xf32, #tpu.memory_space<hbm>> -> memref<1x3456xf32, #tpu.memory_space<hbm>>
    %dma_start3A_19 = tpu.memref_squeeze %dma_start3A_18 : memref<1x3456xf32, #tpu.memory_space<hbm>> -> memref<3456xf32, #tpu.memory_space<hbm>>
    %dma_start3A_20 = arith.constant 0 : i32
    %dma_start3A_21 = tpu.memref_slice %arg5[%add3A, %dma_start3A_20] : memref<32x3456xf32, #tpu.memory_space<hbm>> -> memref<1x3456xf32, #tpu.memory_space<hbm>>
    %dma_start3A_22 = tpu.memref_squeeze %dma_start3A_21 : memref<1x3456xf32, #tpu.memory_space<hbm>> -> memref<3456xf32, #tpu.memory_space<hbm>>
    tpu.enqueue_dma source(%dma_start3A_22 : memref<3456xf32, #tpu.memory_space<hbm>>) target(%arg11 : memref<3456xf32, #tpu.memory_space<vmem>>) target_semaphore(%arg19 : memref<!tpu.dma_semaphore, #tpu.memory_space<semaphore_mem>>)
    %dma_wait3A = arith.constant 0 : i32
    %dma_wait3A_23 = tpu.memref_slice %arg3[%add3A, %dma_wait3A] : memref<32x128xi32, #tpu.memory_space<hbm>> -> memref<1x128xi32, #tpu.memory_space<hbm>>
    %dma_wait3A_24 = tpu.memref_squeeze %dma_wait3A_23 : memref<1x128xi32, #tpu.memory_space<hbm>> -> memref<128xi32, #tpu.memory_space<hbm>>
    %dma_wait3A_25 = arith.constant 0 : i32
    %dma_wait3A_26 = tpu.memref_slice %arg3[%add3A, %dma_wait3A_25] : memref<32x128xi32, #tpu.memory_space<hbm>> -> memref<1x128xi32, #tpu.memory_space<hbm>>
    %dma_wait3A_27 = tpu.memref_squeeze %dma_wait3A_26 : memref<1x128xi32, #tpu.memory_space<hbm>> -> memref<128xi32, #tpu.memory_space<hbm>>
    tpu.wait_dma2 semaphore(%arg18 : memref<!tpu.dma_semaphore, #tpu.memory_space<semaphore_mem>>) src(%dma_wait3A_27 : memref<128xi32, #tpu.memory_space<hbm>>) dst(%arg7 : memref<128xi32, #tpu.memory_space<vmem>>)
    %mul3A_28 = arith.constant 557056 : i32
    %mul3A_29 = arith.muli %add3A, %mul3A_28 : i32
    %scan3A = arith.constant 0 : i32
    %scan3A_30 = arith.constant 0 : i32
    %scan3A_31 = arith.constant 9 : i32
    %scan3A_32 = arith.addi %scan3A_30, %scan3A_31 : i32
    %scan3A_33 = arith.constant 1 : i32
    %scan3A_34 = scf.for %scan3A_107 = %scan3A_30 to %scan3A_32 step %scan3A_33 iter_args(%scan3A_108 = %scan3A) -> (i32)  : i32 {
      %mul3A_109 = arith.constant 128 : i32
      %mul3A_110 = arith.muli %scan3A_107, %mul3A_109 : i32
      %multiple_of3A = tpu.assume_multiple %mul3A_110, 128 : i32
      %add3A_111 = arith.constant 0 : i32
      %add3A_112 = arith.addi %multiple_of3A, %add3A_111 : i32
      %add3A_113 = vector.broadcast %add3A_112 : i32 to vector<16xi32>
      %add3A_114 = arith.addi %iota3A, %add3A_113 : vector<16xi32>
      %div3A = arith.divsi %add3A_114, %broadcast_in_dim3A_3 : vector<16xi32>
      %mul3A_115 = arith.muli %div3A, %broadcast_in_dim3A_3 : vector<16xi32>
      %sub3A = arith.subi %add3A_114, %mul3A_115 : vector<16xi32>
      %min3A = arith.minsi %div3A, %broadcast_in_dim3A_5 : vector<16xi32>
      %gather3A = tpu.vector_load_idx %arg7[%min3A] : memref<128xi32, #tpu.memory_space<vmem>>[vector<16xi32>], vector<16xi32>,
      %mul3A_116 = arith.constant 16384 : i32
      %mul3A_117 = vector.broadcast %mul3A_116 : i32 to vector<16xi32>
      %mul3A_118 = arith.muli %sub3A, %mul3A_117 : vector<16xi32>
      %add3A_119 = vector.broadcast %mul3A_29 : i32 to vector<16xi32>
      %add3A_120 = arith.addi %add3A_119, %mul3A_118 : vector<16xi32>
      %add3A_121 = arith.addi %add3A_120, %gather3A : vector<16xi32>
      %add3A_122 = arith.constant 0 : i32
      %add3A_123 = arith.addi %multiple_of3A, %add3A_122 : i32
      %swap3A_124 = arith.index_cast %add3A_123 : i32 to index
      %swap3A_125 = tpu.vector_load %arg8[%swap3A_124] {strides = array<i32>} : memref<3456xi32, #tpu.memory_space<vmem>>, vector<16xi32>,
      tpu.vector_store %arg8[%swap3A_124], %add3A_121 {strides = array<i32>} : memref<3456xi32, #tpu.memory_space<vmem>>, vector<16xi32>,
      %add3A_126 = arith.constant 16 : i32
      %add3A_127 = arith.addi %multiple_of3A, %add3A_126 : i32
      %add3A_128 = vector.broadcast %add3A_127 : i32 to vector<16xi32>
      %add3A_129 = arith.addi %iota3A, %add3A_128 : vector<16xi32>
      %div3A_130 = arith.divsi %add3A_129, %broadcast_in_dim3A_3 : vector<16xi32>
      %mul3A_131 = arith.muli %div3A_130, %broadcast_in_dim3A_3 : vector<16xi32>
      %sub3A_132 = arith.subi %add3A_129, %mul3A_131 : vector<16xi32>
      %min3A_133 = arith.minsi %div3A_130, %broadcast_in_dim3A_5 : vector<16xi32>
      %gather3A_134 = tpu.vector_load_idx %arg7[%min3A_133] : memref<128xi32, #tpu.memory_space<vmem>>[vector<16xi32>], vector<16xi32>,
      %mul3A_135 = arith.constant 16384 : i32
      %mul3A_136 = vector.broadcast %mul3A_135 : i32 to vector<16xi32>
      %mul3A_137 = arith.muli %sub3A_132, %mul3A_136 : vector<16xi32>
      %add3A_138 = vector.broadcast %mul3A_29 : i32 to vector<16xi32>
      %add3A_139 = arith.addi %add3A_138, %mul3A_137 : vector<16xi32>
      %add3A_140 = arith.addi %add3A_139, %gather3A_134 : vector<16xi32>
      %add3A_141 = arith.constant 16 : i32
      %add3A_142 = arith.addi %multiple_of3A, %add3A_141 : i32
      %swap3A_143 = arith.index_cast %add3A_142 : i32 to index
      %swap3A_144 = tpu.vector_load %arg8[%swap3A_143] {strides = array<i32>} : memref<3456xi32, #tpu.memory_space<vmem>>, vector<16xi32>,
      tpu.vector_store %arg8[%swap3A_143], %add3A_140 {strides = array<i32>} : memref<3456xi32, #tpu.memory_space<vmem>>, vector<16xi32>,
      %add3A_145 = arith.constant 32 : i32
      %add3A_146 = arith.addi %multiple_of3A, %add3A_145 : i32
      %add3A_147 = vector.broadcast %add3A_146 : i32 to vector<16xi32>
      %add3A_148 = arith.addi %iota3A, %add3A_147 : vector<16xi32>
      %div3A_149 = arith.divsi %add3A_148, %broadcast_in_dim3A_3 : vector<16xi32>
      %mul3A_150 = arith.muli %div3A_149, %broadcast_in_dim3A_3 : vector<16xi32>
      %sub3A_151 = arith.subi %add3A_148, %mul3A_150 : vector<16xi32>
      %min3A_152 = arith.minsi %div3A_149, %broadcast_in_dim3A_5 : vector<16xi32>
      %gather3A_153 = tpu.vector_load_idx %arg7[%min3A_152] : memref<128xi32, #tpu.memory_space<vmem>>[vector<16xi32>], vector<16xi32>,
      %mul3A_154 = arith.constant 16384 : i32
      %mul3A_155 = vector.broadcast %mul3A_154 : i32 to vector<16xi32>
      %mul3A_156 = arith.muli %sub3A_151, %mul3A_155 : vector<16xi32>
      %add3A_157 = vector.broadcast %mul3A_29 : i32 to vector<16xi32>
      %add3A_158 = arith.addi %add3A_157, %mul3A_156 : vector<16xi32>
      %add3A_159 = arith.addi %add3A_158, %gather3A_153 : vector<16xi32>
      %add3A_160 = arith.constant 32 : i32
      %add3A_161 = arith.addi %multiple_of3A, %add3A_160 : i32
      %swap3A_162 = arith.index_cast %add3A_161 : i32 to index
      %swap3A_163 = tpu.vector_load %arg8[%swap3A_162] {strides = array<i32>} : memref<3456xi32, #tpu.memory_space<vmem>>, vector<16xi32>,
      tpu.vector_store %arg8[%swap3A_162], %add3A_159 {strides = array<i32>} : memref<3456xi32, #tpu.memory_space<vmem>>, vector<16xi32>,
      %add3A_164 = arith.constant 48 : i32
      %add3A_165 = arith.addi %multiple_of3A, %add3A_164 : i32
      %add3A_166 = vector.broadcast %add3A_165 : i32 to vector<16xi32>
      %add3A_167 = arith.addi %iota3A, %add3A_166 : vector<16xi32>
      %div3A_168 = arith.divsi %add3A_167, %broadcast_in_dim3A_3 : vector<16xi32>
      %mul3A_169 = arith.muli %div3A_168, %broadcast_in_dim3A_3 : vector<16xi32>
      %sub3A_170 = arith.subi %add3A_167, %mul3A_169 : vector<16xi32>
      %min3A_171 = arith.minsi %div3A_168, %broadcast_in_dim3A_5 : vector<16xi32>
      %gather3A_172 = tpu.vector_load_idx %arg7[%min3A_171] : memref<128xi32, #tpu.memory_space<vmem>>[vector<16xi32>], vector<16xi32>,
      %mul3A_173 = arith.constant 16384 : i32
      %mul3A_174 = vector.broadcast %mul3A_173 : i32 to vector<16xi32>
      %mul3A_175 = arith.muli %sub3A_170, %mul3A_174 : vector<16xi32>
      %add3A_176 = vector.broadcast %mul3A_29 : i32 to vector<16xi32>
      %add3A_177 = arith.addi %add3A_176, %mul3A_175 : vector<16xi32>
      %add3A_178 = arith.addi %add3A_177, %gather3A_172 : vector<16xi32>
      %add3A_179 = arith.constant 48 : i32
      %add3A_180 = arith.addi %multiple_of3A, %add3A_179 : i32
      %swap3A_181 = arith.index_cast %add3A_180 : i32 to index
      %swap3A_182 = tpu.vector_load %arg8[%swap3A_181] {strides = array<i32>} : memref<3456xi32, #tpu.memory_space<vmem>>, vector<16xi32>,
      tpu.vector_store %arg8[%swap3A_181], %add3A_178 {strides = array<i32>} : memref<3456xi32, #tpu.memory_space<vmem>>, vector<16xi32>,
      %add3A_183 = arith.constant 64 : i32
      %add3A_184 = arith.addi %multiple_of3A, %add3A_183 : i32
      %add3A_185 = vector.broadcast %add3A_184 : i32 to vector<16xi32>
      %add3A_186 = arith.addi %iota3A, %add3A_185 : vector<16xi32>
      %div3A_187 = arith.divsi %add3A_186, %broadcast_in_dim3A_3 : vector<16xi32>
      %mul3A_188 = arith.muli %div3A_187, %broadcast_in_dim3A_3 : vector<16xi32>
      %sub3A_189 = arith.subi %add3A_186, %mul3A_188 : vector<16xi32>
      %min3A_190 = arith.minsi %div3A_187, %broadcast_in_dim3A_5 : vector<16xi32>
      %gather3A_191 = tpu.vector_load_idx %arg7[%min3A_190] : memref<128xi32, #tpu.memory_space<vmem>>[vector<16xi32>], vector<16xi32>,
      %mul3A_192 = arith.constant 16384 : i32
      %mul3A_193 = vector.broadcast %mul3A_192 : i32 to vector<16xi32>
      %mul3A_194 = arith.muli %sub3A_189, %mul3A_193 : vector<16xi32>
      %add3A_195 = vector.broadcast %mul3A_29 : i32 to vector<16xi32>
      %add3A_196 = arith.addi %add3A_195, %mul3A_194 : vector<16xi32>
      %add3A_197 = arith.addi %add3A_196, %gather3A_191 : vector<16xi32>
      %add3A_198 = arith.constant 64 : i32
      %add3A_199 = arith.addi %multiple_of3A, %add3A_198 : i32
      %swap3A_200 = arith.index_cast %add3A_199 : i32 to index
      %swap3A_201 = tpu.vector_load %arg8[%swap3A_200] {strides = array<i32>} : memref<3456xi32, #tpu.memory_space<vmem>>, vector<16xi32>,
      tpu.vector_store %arg8[%swap3A_200], %add3A_197 {strides = array<i32>} : memref<3456xi32, #tpu.memory_space<vmem>>, vector<16xi32>,
      %add3A_202 = arith.constant 80 : i32
      %add3A_203 = arith.addi %multiple_of3A, %add3A_202 : i32
      %add3A_204 = vector.broadcast %add3A_203 : i32 to vector<16xi32>
      %add3A_205 = arith.addi %iota3A, %add3A_204 : vector<16xi32>
      %div3A_206 = arith.divsi %add3A_205, %broadcast_in_dim3A_3 : vector<16xi32>
      %mul3A_207 = arith.muli %div3A_206, %broadcast_in_dim3A_3 : vector<16xi32>
      %sub3A_208 = arith.subi %add3A_205, %mul3A_207 : vector<16xi32>
      %min3A_209 = arith.minsi %div3A_206, %broadcast_in_dim3A_5 : vector<16xi32>
      %gather3A_210 = tpu.vector_load_idx %arg7[%min3A_209] : memref<128xi32, #tpu.memory_space<vmem>>[vector<16xi32>], vector<16xi32>,
      %mul3A_211 = arith.constant 16384 : i32
      %mul3A_212 = vector.broadcast %mul3A_211 : i32 to vector<16xi32>
      %mul3A_213 = arith.muli %sub3A_208, %mul3A_212 : vector<16xi32>
      %add3A_214 = vector.broadcast %mul3A_29 : i32 to vector<16xi32>
      %add3A_215 = arith.addi %add3A_214, %mul3A_213 : vector<16xi32>
      %add3A_216 = arith.addi %add3A_215, %gather3A_210 : vector<16xi32>
      %add3A_217 = arith.constant 80 : i32
      %add3A_218 = arith.addi %multiple_of3A, %add3A_217 : i32
      %swap3A_219 = arith.index_cast %add3A_218 : i32 to index
      %swap3A_220 = tpu.vector_load %arg8[%swap3A_219] {strides = array<i32>} : memref<3456xi32, #tpu.memory_space<vmem>>, vector<16xi32>,
      tpu.vector_store %arg8[%swap3A_219], %add3A_216 {strides = array<i32>} : memref<3456xi32, #tpu.memory_space<vmem>>, vector<16xi32>,
      %add3A_221 = arith.constant 96 : i32
      %add3A_222 = arith.addi %multiple_of3A, %add3A_221 : i32
      %add3A_223 = vector.broadcast %add3A_222 : i32 to vector<16xi32>
      %add3A_224 = arith.addi %iota3A, %add3A_223 : vector<16xi32>
      %div3A_225 = arith.divsi %add3A_224, %broadcast_in_dim3A_3 : vector<16xi32>
      %mul3A_226 = arith.muli %div3A_225, %broadcast_in_dim3A_3 : vector<16xi32>
      %sub3A_227 = arith.subi %add3A_224, %mul3A_226 : vector<16xi32>
      %min3A_228 = arith.minsi %div3A_225, %broadcast_in_dim3A_5 : vector<16xi32>
      %gather3A_229 = tpu.vector_load_idx %arg7[%min3A_228] : memref<128xi32, #tpu.memory_space<vmem>>[vector<16xi32>], vector<16xi32>,
      %mul3A_230 = arith.constant 16384 : i32
      %mul3A_231 = vector.broadcast %mul3A_230 : i32 to vector<16xi32>
      %mul3A_232 = arith.muli %sub3A_227, %mul3A_231 : vector<16xi32>
      %add3A_233 = vector.broadcast %mul3A_29 : i32 to vector<16xi32>
      %add3A_234 = arith.addi %add3A_233, %mul3A_232 : vector<16xi32>
      %add3A_235 = arith.addi %add3A_234, %gather3A_229 : vector<16xi32>
      %add3A_236 = arith.constant 96 : i32
      %add3A_237 = arith.addi %multiple_of3A, %add3A_236 : i32
      %swap3A_238 = arith.index_cast %add3A_237 : i32 to index
      %swap3A_239 = tpu.vector_load %arg8[%swap3A_238] {strides = array<i32>} : memref<3456xi32, #tpu.memory_space<vmem>>, vector<16xi32>,
      tpu.vector_store %arg8[%swap3A_238], %add3A_235 {strides = array<i32>} : memref<3456xi32, #tpu.memory_space<vmem>>, vector<16xi32>,
      %add3A_240 = arith.constant 112 : i32
      %add3A_241 = arith.addi %multiple_of3A, %add3A_240 : i32
      %add3A_242 = vector.broadcast %add3A_241 : i32 to vector<16xi32>
      %add3A_243 = arith.addi %iota3A, %add3A_242 : vector<16xi32>
      %div3A_244 = arith.divsi %add3A_243, %broadcast_in_dim3A_3 : vector<16xi32>
      %mul3A_245 = arith.muli %div3A_244, %broadcast_in_dim3A_3 : vector<16xi32>
      %sub3A_246 = arith.subi %add3A_243, %mul3A_245 : vector<16xi32>
      %min3A_247 = arith.minsi %div3A_244, %broadcast_in_dim3A_5 : vector<16xi32>
      %gather3A_248 = tpu.vector_load_idx %arg7[%min3A_247] : memref<128xi32, #tpu.memory_space<vmem>>[vector<16xi32>], vector<16xi32>,
      %mul3A_249 = arith.constant 16384 : i32
      %mul3A_250 = vector.broadcast %mul3A_249 : i32 to vector<16xi32>
      %mul3A_251 = arith.muli %sub3A_246, %mul3A_250 : vector<16xi32>
      %add3A_252 = vector.broadcast %mul3A_29 : i32 to vector<16xi32>
      %add3A_253 = arith.addi %add3A_252, %mul3A_251 : vector<16xi32>
      %add3A_254 = arith.addi %add3A_253, %gather3A_248 : vector<16xi32>
      %add3A_255 = arith.constant 112 : i32
      %add3A_256 = arith.addi %multiple_of3A, %add3A_255 : i32
      %swap3A_257 = arith.index_cast %add3A_256 : i32 to index
      %swap3A_258 = tpu.vector_load %arg8[%swap3A_257] {strides = array<i32>} : memref<3456xi32, #tpu.memory_space<vmem>>, vector<16xi32>,
      tpu.vector_store %arg8[%swap3A_257], %add3A_254 {strides = array<i32>} : memref<3456xi32, #tpu.memory_space<vmem>>, vector<16xi32>,
      %dma_start3A_259 = tpu.memref_slice %arg9[%multiple_of3A] : memref<3456xf32, #tpu.memory_space<vmem>> -> memref<128xf32, #tpu.memory_space<vmem>>
      %dma_start3A_260 = tpu.memref_slice %arg8[%multiple_of3A] : memref<3456xi32, #tpu.memory_space<vmem>> -> memref<128xi32, #tpu.memory_space<vmem>>
      %dma_start3A_261 = arith.constant 0 : i32
      %dma_start3A_262 = tpu.memref_slice %arg2[%dma_start3A_261] : memref<17825792xf32, #tpu.memory_space<hbm>> -> memref<17825792xf32, #tpu.memory_space<hbm>>
      tpu.enqueue_indirect_dma source(%dma_start3A_262 : memref<17825792xf32, #tpu.memory_space<hbm>>) target(%dma_start3A_259 : memref<128xf32, #tpu.memory_space<vmem>>) offsets(%dma_start3A_260 : memref<128xi32, #tpu.memory_space<vmem>>) semaphore(%arg15 : memref<!tpu.dma_semaphore, #tpu.memory_space<semaphore_mem>>)
      %scan3A_263 = arith.constant 0 : i32
      scf.yield %scan3A_263 : i32
    }
    %scan3A_35 = arith.constant 9 : i32
    %scan3A_36 = arith.constant 0 : i32
    %scan3A_37 = arith.constant 9 : i32
    %scan3A_38 = arith.constant 9 : i32
    %scan3A_39 = arith.addi %scan3A_37, %scan3A_38 : i32
    %scan3A_40 = arith.constant 1 : i32
    %scan3A_41 = scf.for %scan3A_107 = %scan3A_37 to %scan3A_39 step %scan3A_40 iter_args(%scan3A_108 = %scan3A_36) -> (i32)  : i32 {
      %mul3A_109 = arith.constant 128 : i32
      %mul3A_110 = arith.muli %scan3A_107, %mul3A_109 : i32
      %multiple_of3A = tpu.assume_multiple %mul3A_110, 128 : i32
      %add3A_111 = arith.constant 0 : i32
      %add3A_112 = arith.addi %multiple_of3A, %add3A_111 : i32
      %add3A_113 = vector.broadcast %add3A_112 : i32 to vector<16xi32>
      %add3A_114 = arith.addi %iota3A, %add3A_113 : vector<16xi32>
      %div3A = arith.divsi %add3A_114, %broadcast_in_dim3A_3 : vector<16xi32>
      %mul3A_115 = arith.muli %div3A, %broadcast_in_dim3A_3 : vector<16xi32>
      %sub3A = arith.subi %add3A_114, %mul3A_115 : vector<16xi32>
      %min3A = arith.minsi %div3A, %broadcast_in_dim3A_5 : vector<16xi32>
      %gather3A = tpu.vector_load_idx %arg7[%min3A] : memref<128xi32, #tpu.memory_space<vmem>>[vector<16xi32>], vector<16xi32>,
      %mul3A_116 = arith.constant 16384 : i32
      %mul3A_117 = vector.broadcast %mul3A_116 : i32 to vector<16xi32>
      %mul3A_118 = arith.muli %sub3A, %mul3A_117 : vector<16xi32>
      %add3A_119 = vector.broadcast %mul3A_29 : i32 to vector<16xi32>
      %add3A_120 = arith.addi %add3A_119, %mul3A_118 : vector<16xi32>
      %add3A_121 = arith.addi %add3A_120, %gather3A : vector<16xi32>
      %add3A_122 = arith.constant 0 : i32
      %add3A_123 = arith.addi %multiple_of3A, %add3A_122 : i32
      %swap3A_124 = arith.index_cast %add3A_123 : i32 to index
      %swap3A_125 = tpu.vector_load %arg8[%swap3A_124] {strides = array<i32>} : memref<3456xi32, #tpu.memory_space<vmem>>, vector<16xi32>,
      tpu.vector_store %arg8[%swap3A_124], %add3A_121 {strides = array<i32>} : memref<3456xi32, #tpu.memory_space<vmem>>, vector<16xi32>,
      %add3A_126 = arith.constant 16 : i32
      %add3A_127 = arith.addi %multiple_of3A, %add3A_126 : i32
      %add3A_128 = vector.broadcast %add3A_127 : i32 to vector<16xi32>
      %add3A_129 = arith.addi %iota3A, %add3A_128 : vector<16xi32>
      %div3A_130 = arith.divsi %add3A_129, %broadcast_in_dim3A_3 : vector<16xi32>
      %mul3A_131 = arith.muli %div3A_130, %broadcast_in_dim3A_3 : vector<16xi32>
      %sub3A_132 = arith.subi %add3A_129, %mul3A_131 : vector<16xi32>
      %min3A_133 = arith.minsi %div3A_130, %broadcast_in_dim3A_5 : vector<16xi32>
      %gather3A_134 = tpu.vector_load_idx %arg7[%min3A_133] : memref<128xi32, #tpu.memory_space<vmem>>[vector<16xi32>], vector<16xi32>,
      %mul3A_135 = arith.constant 16384 : i32
      %mul3A_136 = vector.broadcast %mul3A_135 : i32 to vector<16xi32>
      %mul3A_137 = arith.muli %sub3A_132, %mul3A_136 : vector<16xi32>
      %add3A_138 = vector.broadcast %mul3A_29 : i32 to vector<16xi32>
      %add3A_139 = arith.addi %add3A_138, %mul3A_137 : vector<16xi32>
      %add3A_140 = arith.addi %add3A_139, %gather3A_134 : vector<16xi32>
      %add3A_141 = arith.constant 16 : i32
      %add3A_142 = arith.addi %multiple_of3A, %add3A_141 : i32
      %swap3A_143 = arith.index_cast %add3A_142 : i32 to index
      %swap3A_144 = tpu.vector_load %arg8[%swap3A_143] {strides = array<i32>} : memref<3456xi32, #tpu.memory_space<vmem>>, vector<16xi32>,
      tpu.vector_store %arg8[%swap3A_143], %add3A_140 {strides = array<i32>} : memref<3456xi32, #tpu.memory_space<vmem>>, vector<16xi32>,
      %add3A_145 = arith.constant 32 : i32
      %add3A_146 = arith.addi %multiple_of3A, %add3A_145 : i32
      %add3A_147 = vector.broadcast %add3A_146 : i32 to vector<16xi32>
      %add3A_148 = arith.addi %iota3A, %add3A_147 : vector<16xi32>
      %div3A_149 = arith.divsi %add3A_148, %broadcast_in_dim3A_3 : vector<16xi32>
      %mul3A_150 = arith.muli %div3A_149, %broadcast_in_dim3A_3 : vector<16xi32>
      %sub3A_151 = arith.subi %add3A_148, %mul3A_150 : vector<16xi32>
      %min3A_152 = arith.minsi %div3A_149, %broadcast_in_dim3A_5 : vector<16xi32>
      %gather3A_153 = tpu.vector_load_idx %arg7[%min3A_152] : memref<128xi32, #tpu.memory_space<vmem>>[vector<16xi32>], vector<16xi32>,
      %mul3A_154 = arith.constant 16384 : i32
      %mul3A_155 = vector.broadcast %mul3A_154 : i32 to vector<16xi32>
      %mul3A_156 = arith.muli %sub3A_151, %mul3A_155 : vector<16xi32>
      %add3A_157 = vector.broadcast %mul3A_29 : i32 to vector<16xi32>
      %add3A_158 = arith.addi %add3A_157, %mul3A_156 : vector<16xi32>
      %add3A_159 = arith.addi %add3A_158, %gather3A_153 : vector<16xi32>
      %add3A_160 = arith.constant 32 : i32
      %add3A_161 = arith.addi %multiple_of3A, %add3A_160 : i32
      %swap3A_162 = arith.index_cast %add3A_161 : i32 to index
      %swap3A_163 = tpu.vector_load %arg8[%swap3A_162] {strides = array<i32>} : memref<3456xi32, #tpu.memory_space<vmem>>, vector<16xi32>,
      tpu.vector_store %arg8[%swap3A_162], %add3A_159 {strides = array<i32>} : memref<3456xi32, #tpu.memory_space<vmem>>, vector<16xi32>,
      %add3A_164 = arith.constant 48 : i32
      %add3A_165 = arith.addi %multiple_of3A, %add3A_164 : i32
      %add3A_166 = vector.broadcast %add3A_165 : i32 to vector<16xi32>
      %add3A_167 = arith.addi %iota3A, %add3A_166 : vector<16xi32>
      %div3A_168 = arith.divsi %add3A_167, %broadcast_in_dim3A_3 : vector<16xi32>
      %mul3A_169 = arith.muli %div3A_168, %broadcast_in_dim3A_3 : vector<16xi32>
      %sub3A_170 = arith.subi %add3A_167, %mul3A_169 : vector<16xi32>
      %min3A_171 = arith.minsi %div3A_168, %broadcast_in_dim3A_5 : vector<16xi32>
      %gather3A_172 = tpu.vector_load_idx %arg7[%min3A_171] : memref<128xi32, #tpu.memory_space<vmem>>[vector<16xi32>], vector<16xi32>,
      %mul3A_173 = arith.constant 16384 : i32
      %mul3A_174 = vector.broadcast %mul3A_173 : i32 to vector<16xi32>
      %mul3A_175 = arith.muli %sub3A_170, %mul3A_174 : vector<16xi32>
      %add3A_176 = vector.broadcast %mul3A_29 : i32 to vector<16xi32>
      %add3A_177 = arith.addi %add3A_176, %mul3A_175 : vector<16xi32>
      %add3A_178 = arith.addi %add3A_177, %gather3A_172 : vector<16xi32>
      %add3A_179 = arith.constant 48 : i32
      %add3A_180 = arith.addi %multiple_of3A, %add3A_179 : i32
      %swap3A_181 = arith.index_cast %add3A_180 : i32 to index
      %swap3A_182 = tpu.vector_load %arg8[%swap3A_181] {strides = array<i32>} : memref<3456xi32, #tpu.memory_space<vmem>>, vector<16xi32>,
      tpu.vector_store %arg8[%swap3A_181], %add3A_178 {strides = array<i32>} : memref<3456xi32, #tpu.memory_space<vmem>>, vector<16xi32>,
      %add3A_183 = arith.constant 64 : i32
      %add3A_184 = arith.addi %multiple_of3A, %add3A_183 : i32
      %add3A_185 = vector.broadcast %add3A_184 : i32 to vector<16xi32>
      %add3A_186 = arith.addi %iota3A, %add3A_185 : vector<16xi32>
      %div3A_187 = arith.divsi %add3A_186, %broadcast_in_dim3A_3 : vector<16xi32>
      %mul3A_188 = arith.muli %div3A_187, %broadcast_in_dim3A_3 : vector<16xi32>
      %sub3A_189 = arith.subi %add3A_186, %mul3A_188 : vector<16xi32>
      %min3A_190 = arith.minsi %div3A_187, %broadcast_in_dim3A_5 : vector<16xi32>
      %gather3A_191 = tpu.vector_load_idx %arg7[%min3A_190] : memref<128xi32, #tpu.memory_space<vmem>>[vector<16xi32>], vector<16xi32>,
      %mul3A_192 = arith.constant 16384 : i32
      %mul3A_193 = vector.broadcast %mul3A_192 : i32 to vector<16xi32>
      %mul3A_194 = arith.muli %sub3A_189, %mul3A_193 : vector<16xi32>
      %add3A_195 = vector.broadcast %mul3A_29 : i32 to vector<16xi32>
      %add3A_196 = arith.addi %add3A_195, %mul3A_194 : vector<16xi32>
      %add3A_197 = arith.addi %add3A_196, %gather3A_191 : vector<16xi32>
      %add3A_198 = arith.constant 64 : i32
      %add3A_199 = arith.addi %multiple_of3A, %add3A_198 : i32
      %swap3A_200 = arith.index_cast %add3A_199 : i32 to index
      %swap3A_201 = tpu.vector_load %arg8[%swap3A_200] {strides = array<i32>} : memref<3456xi32, #tpu.memory_space<vmem>>, vector<16xi32>,
      tpu.vector_store %arg8[%swap3A_200], %add3A_197 {strides = array<i32>} : memref<3456xi32, #tpu.memory_space<vmem>>, vector<16xi32>,
      %add3A_202 = arith.constant 80 : i32
      %add3A_203 = arith.addi %multiple_of3A, %add3A_202 : i32
      %add3A_204 = vector.broadcast %add3A_203 : i32 to vector<16xi32>
      %add3A_205 = arith.addi %iota3A, %add3A_204 : vector<16xi32>
      %div3A_206 = arith.divsi %add3A_205, %broadcast_in_dim3A_3 : vector<16xi32>
      %mul3A_207 = arith.muli %div3A_206, %broadcast_in_dim3A_3 : vector<16xi32>
      %sub3A_208 = arith.subi %add3A_205, %mul3A_207 : vector<16xi32>
      %min3A_209 = arith.minsi %div3A_206, %broadcast_in_dim3A_5 : vector<16xi32>
      %gather3A_210 = tpu.vector_load_idx %arg7[%min3A_209] : memref<128xi32, #tpu.memory_space<vmem>>[vector<16xi32>], vector<16xi32>,
      %mul3A_211 = arith.constant 16384 : i32
      %mul3A_212 = vector.broadcast %mul3A_211 : i32 to vector<16xi32>
      %mul3A_213 = arith.muli %sub3A_208, %mul3A_212 : vector<16xi32>
      %add3A_214 = vector.broadcast %mul3A_29 : i32 to vector<16xi32>
      %add3A_215 = arith.addi %add3A_214, %mul3A_213 : vector<16xi32>
      %add3A_216 = arith.addi %add3A_215, %gather3A_210 : vector<16xi32>
      %add3A_217 = arith.constant 80 : i32
      %add3A_218 = arith.addi %multiple_of3A, %add3A_217 : i32
      %swap3A_219 = arith.index_cast %add3A_218 : i32 to index
      %swap3A_220 = tpu.vector_load %arg8[%swap3A_219] {strides = array<i32>} : memref<3456xi32, #tpu.memory_space<vmem>>, vector<16xi32>,
      tpu.vector_store %arg8[%swap3A_219], %add3A_216 {strides = array<i32>} : memref<3456xi32, #tpu.memory_space<vmem>>, vector<16xi32>,
      %add3A_221 = arith.constant 96 : i32
      %add3A_222 = arith.addi %multiple_of3A, %add3A_221 : i32
      %add3A_223 = vector.broadcast %add3A_222 : i32 to vector<16xi32>
      %add3A_224 = arith.addi %iota3A, %add3A_223 : vector<16xi32>
      %div3A_225 = arith.divsi %add3A_224, %broadcast_in_dim3A_3 : vector<16xi32>
      %mul3A_226 = arith.muli %div3A_225, %broadcast_in_dim3A_3 : vector<16xi32>
      %sub3A_227 = arith.subi %add3A_224, %mul3A_226 : vector<16xi32>
      %min3A_228 = arith.minsi %div3A_225, %broadcast_in_dim3A_5 : vector<16xi32>
      %gather3A_229 = tpu.vector_load_idx %arg7[%min3A_228] : memref<128xi32, #tpu.memory_space<vmem>>[vector<16xi32>], vector<16xi32>,
      %mul3A_230 = arith.constant 16384 : i32
      %mul3A_231 = vector.broadcast %mul3A_230 : i32 to vector<16xi32>
      %mul3A_232 = arith.muli %sub3A_227, %mul3A_231 : vector<16xi32>
      %add3A_233 = vector.broadcast %mul3A_29 : i32 to vector<16xi32>
      %add3A_234 = arith.addi %add3A_233, %mul3A_232 : vector<16xi32>
      %add3A_235 = arith.addi %add3A_234, %gather3A_229 : vector<16xi32>
      %add3A_236 = arith.constant 96 : i32
      %add3A_237 = arith.addi %multiple_of3A, %add3A_236 : i32
      %swap3A_238 = arith.index_cast %add3A_237 : i32 to index
      %swap3A_239 = tpu.vector_load %arg8[%swap3A_238] {strides = array<i32>} : memref<3456xi32, #tpu.memory_space<vmem>>, vector<16xi32>,
      tpu.vector_store %arg8[%swap3A_238], %add3A_235 {strides = array<i32>} : memref<3456xi32, #tpu.memory_space<vmem>>, vector<16xi32>,
      %add3A_240 = arith.constant 112 : i32
      %add3A_241 = arith.addi %multiple_of3A, %add3A_240 : i32
      %add3A_242 = vector.broadcast %add3A_241 : i32 to vector<16xi32>
      %add3A_243 = arith.addi %iota3A, %add3A_242 : vector<16xi32>
      %div3A_244 = arith.divsi %add3A_243, %broadcast_in_dim3A_3 : vector<16xi32>
      %mul3A_245 = arith.muli %div3A_244, %broadcast_in_dim3A_3 : vector<16xi32>
      %sub3A_246 = arith.subi %add3A_243, %mul3A_245 : vector<16xi32>
      %min3A_247 = arith.minsi %div3A_244, %broadcast_in_dim3A_5 : vector<16xi32>
      %gather3A_248 = tpu.vector_load_idx %arg7[%min3A_247] : memref<128xi32, #tpu.memory_space<vmem>>[vector<16xi32>], vector<16xi32>,
      %mul3A_249 = arith.constant 16384 : i32
      %mul3A_250 = vector.broadcast %mul3A_249 : i32 to vector<16xi32>
      %mul3A_251 = arith.muli %sub3A_246, %mul3A_250 : vector<16xi32>
      %add3A_252 = vector.broadcast %mul3A_29 : i32 to vector<16xi32>
      %add3A_253 = arith.addi %add3A_252, %mul3A_251 : vector<16xi32>
      %add3A_254 = arith.addi %add3A_253, %gather3A_248 : vector<16xi32>
      %add3A_255 = arith.constant 112 : i32
      %add3A_256 = arith.addi %multiple_of3A, %add3A_255 : i32
      %swap3A_257 = arith.index_cast %add3A_256 : i32 to index
      %swap3A_258 = tpu.vector_load %arg8[%swap3A_257] {strides = array<i32>} : memref<3456xi32, #tpu.memory_space<vmem>>, vector<16xi32>,
      tpu.vector_store %arg8[%swap3A_257], %add3A_254 {strides = array<i32>} : memref<3456xi32, #tpu.memory_space<vmem>>, vector<16xi32>,
      %dma_start3A_259 = tpu.memref_slice %arg9[%multiple_of3A] : memref<3456xf32, #tpu.memory_space<vmem>> -> memref<128xf32, #tpu.memory_space<vmem>>
      %dma_start3A_260 = tpu.memref_slice %arg8[%multiple_of3A] : memref<3456xi32, #tpu.memory_space<vmem>> -> memref<128xi32, #tpu.memory_space<vmem>>
      %dma_start3A_261 = arith.constant 0 : i32
      %dma_start3A_262 = tpu.memref_slice %arg2[%dma_start3A_261] : memref<17825792xf32, #tpu.memory_space<hbm>> -> memref<17825792xf32, #tpu.memory_space<hbm>>
      tpu.enqueue_indirect_dma source(%dma_start3A_262 : memref<17825792xf32, #tpu.memory_space<hbm>>) target(%dma_start3A_259 : memref<128xf32, #tpu.memory_space<vmem>>) offsets(%dma_start3A_260 : memref<128xi32, #tpu.memory_space<vmem>>) semaphore(%arg16 : memref<!tpu.dma_semaphore, #tpu.memory_space<semaphore_mem>>)
      %scan3A_263 = arith.constant 0 : i32
      scf.yield %scan3A_263 : i32
    }
    %scan3A_42 = arith.constant 9 : i32
    %scan3A_43 = arith.constant 0 : i32
    %scan3A_44 = arith.constant 18 : i32
    %scan3A_45 = arith.constant 9 : i32
    %scan3A_46 = arith.addi %scan3A_44, %scan3A_45 : i32
    %scan3A_47 = arith.constant 1 : i32
    %scan3A_48 = scf.for %scan3A_107 = %scan3A_44 to %scan3A_46 step %scan3A_47 iter_args(%scan3A_108 = %scan3A_43) -> (i32)  : i32 {
      %mul3A_109 = arith.constant 128 : i32
      %mul3A_110 = arith.muli %scan3A_107, %mul3A_109 : i32
      %multiple_of3A = tpu.assume_multiple %mul3A_110, 128 : i32
      %add3A_111 = arith.constant 0 : i32
      %add3A_112 = arith.addi %multiple_of3A, %add3A_111 : i32
      %add3A_113 = vector.broadcast %add3A_112 : i32 to vector<16xi32>
      %add3A_114 = arith.addi %iota3A, %add3A_113 : vector<16xi32>
      %div3A = arith.divsi %add3A_114, %broadcast_in_dim3A_3 : vector<16xi32>
      %mul3A_115 = arith.muli %div3A, %broadcast_in_dim3A_3 : vector<16xi32>
      %sub3A = arith.subi %add3A_114, %mul3A_115 : vector<16xi32>
      %min3A = arith.minsi %div3A, %broadcast_in_dim3A_5 : vector<16xi32>
      %gather3A = tpu.vector_load_idx %arg7[%min3A] : memref<128xi32, #tpu.memory_space<vmem>>[vector<16xi32>], vector<16xi32>,
      %mul3A_116 = arith.constant 16384 : i32
      %mul3A_117 = vector.broadcast %mul3A_116 : i32 to vector<16xi32>
      %mul3A_118 = arith.muli %sub3A, %mul3A_117 : vector<16xi32>
      %add3A_119 = vector.broadcast %mul3A_29 : i32 to vector<16xi32>
      %add3A_120 = arith.addi %add3A_119, %mul3A_118 : vector<16xi32>
      %add3A_121 = arith.addi %add3A_120, %gather3A : vector<16xi32>
      %add3A_122 = arith.constant 0 : i32
      %add3A_123 = arith.addi %multiple_of3A, %add3A_122 : i32
      %swap3A_124 = arith.index_cast %add3A_123 : i32 to index
      %swap3A_125 = tpu.vector_load %arg8[%swap3A_124] {strides = array<i32>} : memref<3456xi32, #tpu.memory_space<vmem>>, vector<16xi32>,
      tpu.vector_store %arg8[%swap3A_124], %add3A_121 {strides = array<i32>} : memref<3456xi32, #tpu.memory_space<vmem>>, vector<16xi32>,
      %add3A_126 = arith.constant 16 : i32
      %add3A_127 = arith.addi %multiple_of3A, %add3A_126 : i32
      %add3A_128 = vector.broadcast %add3A_127 : i32 to vector<16xi32>
      %add3A_129 = arith.addi %iota3A, %add3A_128 : vector<16xi32>
      %div3A_130 = arith.divsi %add3A_129, %broadcast_in_dim3A_3 : vector<16xi32>
      %mul3A_131 = arith.muli %div3A_130, %broadcast_in_dim3A_3 : vector<16xi32>
      %sub3A_132 = arith.subi %add3A_129, %mul3A_131 : vector<16xi32>
      %min3A_133 = arith.minsi %div3A_130, %broadcast_in_dim3A_5 : vector<16xi32>
      %gather3A_134 = tpu.vector_load_idx %arg7[%min3A_133] : memref<128xi32, #tpu.memory_space<vmem>>[vector<16xi32>], vector<16xi32>,
      %mul3A_135 = arith.constant 16384 : i32
      %mul3A_136 = vector.broadcast %mul3A_135 : i32 to vector<16xi32>
      %mul3A_137 = arith.muli %sub3A_132, %mul3A_136 : vector<16xi32>
      %add3A_138 = vector.broadcast %mul3A_29 : i32 to vector<16xi32>
      %add3A_139 = arith.addi %add3A_138, %mul3A_137 : vector<16xi32>
      %add3A_140 = arith.addi %add3A_139, %gather3A_134 : vector<16xi32>
      %add3A_141 = arith.constant 16 : i32
      %add3A_142 = arith.addi %multiple_of3A, %add3A_141 : i32
      %swap3A_143 = arith.index_cast %add3A_142 : i32 to index
      %swap3A_144 = tpu.vector_load %arg8[%swap3A_143] {strides = array<i32>} : memref<3456xi32, #tpu.memory_space<vmem>>, vector<16xi32>,
      tpu.vector_store %arg8[%swap3A_143], %add3A_140 {strides = array<i32>} : memref<3456xi32, #tpu.memory_space<vmem>>, vector<16xi32>,
      %add3A_145 = arith.constant 32 : i32
      %add3A_146 = arith.addi %multiple_of3A, %add3A_145 : i32
      %add3A_147 = vector.broadcast %add3A_146 : i32 to vector<16xi32>
      %add3A_148 = arith.addi %iota3A, %add3A_147 : vector<16xi32>
      %div3A_149 = arith.divsi %add3A_148, %broadcast_in_dim3A_3 : vector<16xi32>
      %mul3A_150 = arith.muli %div3A_149, %broadcast_in_dim3A_3 : vector<16xi32>
      %sub3A_151 = arith.subi %add3A_148, %mul3A_150 : vector<16xi32>
      %min3A_152 = arith.minsi %div3A_149, %broadcast_in_dim3A_5 : vector<16xi32>
      %gather3A_153 = tpu.vector_load_idx %arg7[%min3A_152] : memref<128xi32, #tpu.memory_space<vmem>>[vector<16xi32>], vector<16xi32>,
      %mul3A_154 = arith.constant 16384 : i32
      %mul3A_155 = vector.broadcast %mul3A_154 : i32 to vector<16xi32>
      %mul3A_156 = arith.muli %sub3A_151, %mul3A_155 : vector<16xi32>
      %add3A_157 = vector.broadcast %mul3A_29 : i32 to vector<16xi32>
      %add3A_158 = arith.addi %add3A_157, %mul3A_156 : vector<16xi32>
      %add3A_159 = arith.addi %add3A_158, %gather3A_153 : vector<16xi32>
      %add3A_160 = arith.constant 32 : i32
      %add3A_161 = arith.addi %multiple_of3A, %add3A_160 : i32
      %swap3A_162 = arith.index_cast %add3A_161 : i32 to index
      %swap3A_163 = tpu.vector_load %arg8[%swap3A_162] {strides = array<i32>} : memref<3456xi32, #tpu.memory_space<vmem>>, vector<16xi32>,
      tpu.vector_store %arg8[%swap3A_162], %add3A_159 {strides = array<i32>} : memref<3456xi32, #tpu.memory_space<vmem>>, vector<16xi32>,
      %add3A_164 = arith.constant 48 : i32
      %add3A_165 = arith.addi %multiple_of3A, %add3A_164 : i32
      %add3A_166 = vector.broadcast %add3A_165 : i32 to vector<16xi32>
      %add3A_167 = arith.addi %iota3A, %add3A_166 : vector<16xi32>
      %div3A_168 = arith.divsi %add3A_167, %broadcast_in_dim3A_3 : vector<16xi32>
      %mul3A_169 = arith.muli %div3A_168, %broadcast_in_dim3A_3 : vector<16xi32>
      %sub3A_170 = arith.subi %add3A_167, %mul3A_169 : vector<16xi32>
      %min3A_171 = arith.minsi %div3A_168, %broadcast_in_dim3A_5 : vector<16xi32>
      %gather3A_172 = tpu.vector_load_idx %arg7[%min3A_171] : memref<128xi32, #tpu.memory_space<vmem>>[vector<16xi32>], vector<16xi32>,
      %mul3A_173 = arith.constant 16384 : i32
      %mul3A_174 = vector.broadcast %mul3A_173 : i32 to vector<16xi32>
      %mul3A_175 = arith.muli %sub3A_170, %mul3A_174 : vector<16xi32>
      %add3A_176 = vector.broadcast %mul3A_29 : i32 to vector<16xi32>
      %add3A_177 = arith.addi %add3A_176, %mul3A_175 : vector<16xi32>
      %add3A_178 = arith.addi %add3A_177, %gather3A_172 : vector<16xi32>
      %add3A_179 = arith.constant 48 : i32
      %add3A_180 = arith.addi %multiple_of3A, %add3A_179 : i32
      %swap3A_181 = arith.index_cast %add3A_180 : i32 to index
      %swap3A_182 = tpu.vector_load %arg8[%swap3A_181] {strides = array<i32>} : memref<3456xi32, #tpu.memory_space<vmem>>, vector<16xi32>,
      tpu.vector_store %arg8[%swap3A_181], %add3A_178 {strides = array<i32>} : memref<3456xi32, #tpu.memory_space<vmem>>, vector<16xi32>,
      %add3A_183 = arith.constant 64 : i32
      %add3A_184 = arith.addi %multiple_of3A, %add3A_183 : i32
      %add3A_185 = vector.broadcast %add3A_184 : i32 to vector<16xi32>
      %add3A_186 = arith.addi %iota3A, %add3A_185 : vector<16xi32>
      %div3A_187 = arith.divsi %add3A_186, %broadcast_in_dim3A_3 : vector<16xi32>
      %mul3A_188 = arith.muli %div3A_187, %broadcast_in_dim3A_3 : vector<16xi32>
      %sub3A_189 = arith.subi %add3A_186, %mul3A_188 : vector<16xi32>
      %min3A_190 = arith.minsi %div3A_187, %broadcast_in_dim3A_5 : vector<16xi32>
      %gather3A_191 = tpu.vector_load_idx %arg7[%min3A_190] : memref<128xi32, #tpu.memory_space<vmem>>[vector<16xi32>], vector<16xi32>,
      %mul3A_192 = arith.constant 16384 : i32
      %mul3A_193 = vector.broadcast %mul3A_192 : i32 to vector<16xi32>
      %mul3A_194 = arith.muli %sub3A_189, %mul3A_193 : vector<16xi32>
      %add3A_195 = vector.broadcast %mul3A_29 : i32 to vector<16xi32>
      %add3A_196 = arith.addi %add3A_195, %mul3A_194 : vector<16xi32>
      %add3A_197 = arith.addi %add3A_196, %gather3A_191 : vector<16xi32>
      %add3A_198 = arith.constant 64 : i32
      %add3A_199 = arith.addi %multiple_of3A, %add3A_198 : i32
      %swap3A_200 = arith.index_cast %add3A_199 : i32 to index
      %swap3A_201 = tpu.vector_load %arg8[%swap3A_200] {strides = array<i32>} : memref<3456xi32, #tpu.memory_space<vmem>>, vector<16xi32>,
      tpu.vector_store %arg8[%swap3A_200], %add3A_197 {strides = array<i32>} : memref<3456xi32, #tpu.memory_space<vmem>>, vector<16xi32>,
      %add3A_202 = arith.constant 80 : i32
      %add3A_203 = arith.addi %multiple_of3A, %add3A_202 : i32
      %add3A_204 = vector.broadcast %add3A_203 : i32 to vector<16xi32>
      %add3A_205 = arith.addi %iota3A, %add3A_204 : vector<16xi32>
      %div3A_206 = arith.divsi %add3A_205, %broadcast_in_dim3A_3 : vector<16xi32>
      %mul3A_207 = arith.muli %div3A_206, %broadcast_in_dim3A_3 : vector<16xi32>
      %sub3A_208 = arith.subi %add3A_205, %mul3A_207 : vector<16xi32>
      %min3A_209 = arith.minsi %div3A_206, %broadcast_in_dim3A_5 : vector<16xi32>
      %gather3A_210 = tpu.vector_load_idx %arg7[%min3A_209] : memref<128xi32, #tpu.memory_space<vmem>>[vector<16xi32>], vector<16xi32>,
      %mul3A_211 = arith.constant 16384 : i32
      %mul3A_212 = vector.broadcast %mul3A_211 : i32 to vector<16xi32>
      %mul3A_213 = arith.muli %sub3A_208, %mul3A_212 : vector<16xi32>
      %add3A_214 = vector.broadcast %mul3A_29 : i32 to vector<16xi32>
      %add3A_215 = arith.addi %add3A_214, %mul3A_213 : vector<16xi32>
      %add3A_216 = arith.addi %add3A_215, %gather3A_210 : vector<16xi32>
      %add3A_217 = arith.constant 80 : i32
      %add3A_218 = arith.addi %multiple_of3A, %add3A_217 : i32
      %swap3A_219 = arith.index_cast %add3A_218 : i32 to index
      %swap3A_220 = tpu.vector_load %arg8[%swap3A_219] {strides = array<i32>} : memref<3456xi32, #tpu.memory_space<vmem>>, vector<16xi32>,
      tpu.vector_store %arg8[%swap3A_219], %add3A_216 {strides = array<i32>} : memref<3456xi32, #tpu.memory_space<vmem>>, vector<16xi32>,
      %add3A_221 = arith.constant 96 : i32
      %add3A_222 = arith.addi %multiple_of3A, %add3A_221 : i32
      %add3A_223 = vector.broadcast %add3A_222 : i32 to vector<16xi32>
      %add3A_224 = arith.addi %iota3A, %add3A_223 : vector<16xi32>
      %div3A_225 = arith.divsi %add3A_224, %broadcast_in_dim3A_3 : vector<16xi32>
      %mul3A_226 = arith.muli %div3A_225, %broadcast_in_dim3A_3 : vector<16xi32>
      %sub3A_227 = arith.subi %add3A_224, %mul3A_226 : vector<16xi32>
      %min3A_228 = arith.minsi %div3A_225, %broadcast_in_dim3A_5 : vector<16xi32>
      %gather3A_229 = tpu.vector_load_idx %arg7[%min3A_228] : memref<128xi32, #tpu.memory_space<vmem>>[vector<16xi32>], vector<16xi32>,
      %mul3A_230 = arith.constant 16384 : i32
      %mul3A_231 = vector.broadcast %mul3A_230 : i32 to vector<16xi32>
      %mul3A_232 = arith.muli %sub3A_227, %mul3A_231 : vector<16xi32>
      %add3A_233 = vector.broadcast %mul3A_29 : i32 to vector<16xi32>
      %add3A_234 = arith.addi %add3A_233, %mul3A_232 : vector<16xi32>
      %add3A_235 = arith.addi %add3A_234, %gather3A_229 : vector<16xi32>
      %add3A_236 = arith.constant 96 : i32
      %add3A_237 = arith.addi %multiple_of3A, %add3A_236 : i32
      %swap3A_238 = arith.index_cast %add3A_237 : i32 to index
      %swap3A_239 = tpu.vector_load %arg8[%swap3A_238] {strides = array<i32>} : memref<3456xi32, #tpu.memory_space<vmem>>, vector<16xi32>,
      tpu.vector_store %arg8[%swap3A_238], %add3A_235 {strides = array<i32>} : memref<3456xi32, #tpu.memory_space<vmem>>, vector<16xi32>,
      %add3A_240 = arith.constant 112 : i32
      %add3A_241 = arith.addi %multiple_of3A, %add3A_240 : i32
      %add3A_242 = vector.broadcast %add3A_241 : i32 to vector<16xi32>
      %add3A_243 = arith.addi %iota3A, %add3A_242 : vector<16xi32>
      %div3A_244 = arith.divsi %add3A_243, %broadcast_in_dim3A_3 : vector<16xi32>
      %mul3A_245 = arith.muli %div3A_244, %broadcast_in_dim3A_3 : vector<16xi32>
      %sub3A_246 = arith.subi %add3A_243, %mul3A_245 : vector<16xi32>
      %min3A_247 = arith.minsi %div3A_244, %broadcast_in_dim3A_5 : vector<16xi32>
      %gather3A_248 = tpu.vector_load_idx %arg7[%min3A_247] : memref<128xi32, #tpu.memory_space<vmem>>[vector<16xi32>], vector<16xi32>,
      %mul3A_249 = arith.constant 16384 : i32
      %mul3A_250 = vector.broadcast %mul3A_249 : i32 to vector<16xi32>
      %mul3A_251 = arith.muli %sub3A_246, %mul3A_250 : vector<16xi32>
      %add3A_252 = vector.broadcast %mul3A_29 : i32 to vector<16xi32>
      %add3A_253 = arith.addi %add3A_252, %mul3A_251 : vector<16xi32>
      %add3A_254 = arith.addi %add3A_253, %gather3A_248 : vector<16xi32>
      %add3A_255 = arith.constant 112 : i32
      %add3A_256 = arith.addi %multiple_of3A, %add3A_255 : i32
      %swap3A_257 = arith.index_cast %add3A_256 : i32 to index
      %swap3A_258 = tpu.vector_load %arg8[%swap3A_257] {strides = array<i32>} : memref<3456xi32, #tpu.memory_space<vmem>>, vector<16xi32>,
      tpu.vector_store %arg8[%swap3A_257], %add3A_254 {strides = array<i32>} : memref<3456xi32, #tpu.memory_space<vmem>>, vector<16xi32>,
      %dma_start3A_259 = tpu.memref_slice %arg9[%multiple_of3A] : memref<3456xf32, #tpu.memory_space<vmem>> -> memref<128xf32, #tpu.memory_space<vmem>>
      %dma_start3A_260 = tpu.memref_slice %arg8[%multiple_of3A] : memref<3456xi32, #tpu.memory_space<vmem>> -> memref<128xi32, #tpu.memory_space<vmem>>
      %dma_start3A_261 = arith.constant 0 : i32
      %dma_start3A_262 = tpu.memref_slice %arg2[%dma_start3A_261] : memref<17825792xf32, #tpu.memory_space<hbm>> -> memref<17825792xf32, #tpu.memory_space<hbm>>
      tpu.enqueue_indirect_dma source(%dma_start3A_262 : memref<17825792xf32, #tpu.memory_space<hbm>>) target(%dma_start3A_259 : memref<128xf32, #tpu.memory_space<vmem>>) offsets(%dma_start3A_260 : memref<128xi32, #tpu.memory_space<vmem>>) semaphore(%arg17 : memref<!tpu.dma_semaphore, #tpu.memory_space<semaphore_mem>>)
      %scan3A_263 = arith.constant 0 : i32
      scf.yield %scan3A_263 : i32
    }
    %scan3A_49 = arith.constant 9 : i32
    %dma_wait3A_50 = arith.constant 0 : i32
    %dma_wait3A_51 = tpu.memref_slice %arg4[%add3A, %dma_wait3A_50] : memref<32x3456xf32, #tpu.memory_space<hbm>> -> memref<1x3456xf32, #tpu.memory_space<hbm>>
    %dma_wait3A_52 = tpu.memref_squeeze %dma_wait3A_51 : memref<1x3456xf32, #tpu.memory_space<hbm>> -> memref<3456xf32, #tpu.memory_space<hbm>>
    %dma_wait3A_53 = arith.constant 0 : i32
    %dma_wait3A_54 = tpu.memref_slice %arg4[%add3A, %dma_wait3A_53] : memref<32x3456xf32, #tpu.memory_space<hbm>> -> memref<1x3456xf32, #tpu.memory_space<hbm>>
    %dma_wait3A_55 = tpu.memref_squeeze %dma_wait3A_54 : memref<1x3456xf32, #tpu.memory_space<hbm>> -> memref<3456xf32, #tpu.memory_space<hbm>>
    tpu.wait_dma2 semaphore(%arg19 : memref<!tpu.dma_semaphore, #tpu.memory_space<semaphore_mem>>) src(%dma_wait3A_55 : memref<3456xf32, #tpu.memory_space<hbm>>) dst(%arg10 : memref<3456xf32, #tpu.memory_space<vmem>>)
    %dma_wait3A_56 = arith.constant 0 : i32
    %dma_wait3A_57 = tpu.memref_slice %arg5[%add3A, %dma_wait3A_56] : memref<32x3456xf32, #tpu.memory_space<hbm>> -> memref<1x3456xf32, #tpu.memory_space<hbm>>
    %dma_wait3A_58 = tpu.memref_squeeze %dma_wait3A_57 : memref<1x3456xf32, #tpu.memory_space<hbm>> -> memref<3456xf32, #tpu.memory_space<hbm>>
    %dma_wait3A_59 = arith.constant 0 : i32
    %dma_wait3A_60 = tpu.memref_slice %arg5[%add3A, %dma_wait3A_59] : memref<32x3456xf32, #tpu.memory_space<hbm>> -> memref<1x3456xf32, #tpu.memory_space<hbm>>
    %dma_wait3A_61 = tpu.memref_squeeze %dma_wait3A_60 : memref<1x3456xf32, #tpu.memory_space<hbm>> -> memref<3456xf32, #tpu.memory_space<hbm>>
    tpu.wait_dma2 semaphore(%arg19 : memref<!tpu.dma_semaphore, #tpu.memory_space<semaphore_mem>>) src(%dma_wait3A_61 : memref<3456xf32, #tpu.memory_space<hbm>>) dst(%arg11 : memref<3456xf32, #tpu.memory_space<vmem>>)
    %dma_wait3A_62 = arith.constant 0 : i32
    %dma_wait3A_63 = tpu.memref_slice %arg9[%dma_wait3A_62] : memref<3456xf32, #tpu.memory_space<vmem>> -> memref<1152xf32, #tpu.memory_space<vmem>>
    %dma_wait3A_64 = arith.constant 0 : i32
    %dma_wait3A_65 = tpu.memref_slice %arg2[%dma_wait3A_64] : memref<17825792xf32, #tpu.memory_space<hbm>> -> memref<1152xf32, #tpu.memory_space<hbm>>
    %dma_wait3A_66 = arith.constant 0 : i32
    %dma_wait3A_67 = tpu.memref_slice %arg9[%dma_wait3A_66] : memref<3456xf32, #tpu.memory_space<vmem>> -> memref<1152xf32, #tpu.memory_space<vmem>>
    %dma_wait3A_68 = arith.constant 0 : i32
    %dma_wait3A_69 = tpu.memref_slice %arg2[%dma_wait3A_68] : memref<17825792xf32, #tpu.memory_space<hbm>> -> memref<1152xf32, #tpu.memory_space<hbm>>
    tpu.wait_dma2 semaphore(%arg15 : memref<!tpu.dma_semaphore, #tpu.memory_space<semaphore_mem>>) src(%dma_wait3A_69 : memref<1152xf32, #tpu.memory_space<hbm>>) dst(%dma_wait3A_67 : memref<1152xf32, #tpu.memory_space<vmem>>)
    %scan3A_70 = arith.constant 0 : i32
    %scan3A_71 = arith.constant 72 : i32
    %scan3A_72 = arith.addi %scan3A_70, %scan3A_71 : i32
    %scan3A_73 = arith.constant 4 : i32
    %scan3A_74:2 = scf.for %scan3A_107 = %scan3A_70 to %scan3A_72 step %scan3A_73 iter_args(%scan3A_108 = %broadcast_in_dim3A_1, %scan3A_109 = %broadcast_in_dim3A_1) -> (vector<16xf32>, vector<16xf32>)  : i32 {
      %mul3A_110 = arith.constant 16 : i32
      %mul3A_111 = arith.muli %scan3A_107, %mul3A_110 : i32
      %multiple_of3A = tpu.assume_multiple %mul3A_111, 16 : i32
      %get3A = arith.index_cast %multiple_of3A : i32 to index
      %get3A_112 = tpu.vector_load %arg9[%get3A] {strides = array<i32>} : memref<3456xf32, #tpu.memory_space<vmem>>, vector<16xf32>,
      %get3A_113 = arith.index_cast %multiple_of3A : i32 to index
      %get3A_114 = tpu.vector_load %arg10[%get3A_113] {strides = array<i32>} : memref<3456xf32, #tpu.memory_space<vmem>>, vector<16xf32>,
      %get3A_115 = arith.index_cast %multiple_of3A : i32 to index
      %get3A_116 = tpu.vector_load %arg11[%get3A_115] {strides = array<i32>} : memref<3456xf32, #tpu.memory_space<vmem>>, vector<16xf32>,
      %sub3A = arith.subf %get3A_112, %get3A_114 : vector<16xf32>
      %abs3A = math.absf %sub3A : vector<16xf32>
      %mul3A_117 = arith.mulf %abs3A, %get3A_116 : vector<16xf32>
      %add3A_118 = arith.addf %scan3A_108, %mul3A_117 : vector<16xf32>
      %add3A_119 = arith.addf %scan3A_109, %get3A_116 : vector<16xf32>
      %scan3A_120 = arith.constant 1 : i32
      %scan3A_121 = arith.addi %scan3A_107, %scan3A_120 : i32
      %mul3A_122 = arith.constant 16 : i32
      %mul3A_123 = arith.muli %scan3A_121, %mul3A_122 : i32
      %multiple_of3A_124 = tpu.assume_multiple %mul3A_123, 16 : i32
      %get3A_125 = arith.index_cast %multiple_of3A_124 : i32 to index
      %get3A_126 = tpu.vector_load %arg9[%get3A_125] {strides = array<i32>} : memref<3456xf32, #tpu.memory_space<vmem>>, vector<16xf32>,
      %get3A_127 = arith.index_cast %multiple_of3A_124 : i32 to index
      %get3A_128 = tpu.vector_load %arg10[%get3A_127] {strides = array<i32>} : memref<3456xf32, #tpu.memory_space<vmem>>, vector<16xf32>,
      %get3A_129 = arith.index_cast %multiple_of3A_124 : i32 to index
      %get3A_130 = tpu.vector_load %arg11[%get3A_129] {strides = array<i32>} : memref<3456xf32, #tpu.memory_space<vmem>>, vector<16xf32>,
      %sub3A_131 = arith.subf %get3A_126, %get3A_128 : vector<16xf32>
      %abs3A_132 = math.absf %sub3A_131 : vector<16xf32>
      %mul3A_133 = arith.mulf %abs3A_132, %get3A_130 : vector<16xf32>
      %add3A_134 = arith.addf %add3A_118, %mul3A_133 : vector<16xf32>
      %add3A_135 = arith.addf %add3A_119, %get3A_130 : vector<16xf32>
      %scan3A_136 = arith.constant 2 : i32
      %scan3A_137 = arith.addi %scan3A_107, %scan3A_136 : i32
      %mul3A_138 = arith.constant 16 : i32
      %mul3A_139 = arith.muli %scan3A_137, %mul3A_138 : i32
      %multiple_of3A_140 = tpu.assume_multiple %mul3A_139, 16 : i32
      %get3A_141 = arith.index_cast %multiple_of3A_140 : i32 to index
      %get3A_142 = tpu.vector_load %arg9[%get3A_141] {strides = array<i32>} : memref<3456xf32, #tpu.memory_space<vmem>>, vector<16xf32>,
      %get3A_143 = arith.index_cast %multiple_of3A_140 : i32 to index
      %get3A_144 = tpu.vector_load %arg10[%get3A_143] {strides = array<i32>} : memref<3456xf32, #tpu.memory_space<vmem>>, vector<16xf32>,
      %get3A_145 = arith.index_cast %multiple_of3A_140 : i32 to index
      %get3A_146 = tpu.vector_load %arg11[%get3A_145] {strides = array<i32>} : memref<3456xf32, #tpu.memory_space<vmem>>, vector<16xf32>,
      %sub3A_147 = arith.subf %get3A_142, %get3A_144 : vector<16xf32>
      %abs3A_148 = math.absf %sub3A_147 : vector<16xf32>
      %mul3A_149 = arith.mulf %abs3A_148, %get3A_146 : vector<16xf32>
      %add3A_150 = arith.addf %add3A_134, %mul3A_149 : vector<16xf32>
      %add3A_151 = arith.addf %add3A_135, %get3A_146 : vector<16xf32>
      %scan3A_152 = arith.constant 3 : i32
      %scan3A_153 = arith.addi %scan3A_107, %scan3A_152 : i32
      %mul3A_154 = arith.constant 16 : i32
      %mul3A_155 = arith.muli %scan3A_153, %mul3A_154 : i32
      %multiple_of3A_156 = tpu.assume_multiple %mul3A_155, 16 : i32
      %get3A_157 = arith.index_cast %multiple_of3A_156 : i32 to index
      %get3A_158 = tpu.vector_load %arg9[%get3A_157] {strides = array<i32>} : memref<3456xf32, #tpu.memory_space<vmem>>, vector<16xf32>,
      %get3A_159 = arith.index_cast %multiple_of3A_156 : i32 to index
      %get3A_160 = tpu.vector_load %arg10[%get3A_159] {strides = array<i32>} : memref<3456xf32, #tpu.memory_space<vmem>>, vector<16xf32>,
      %get3A_161 = arith.index_cast %multiple_of3A_156 : i32 to index
      %get3A_162 = tpu.vector_load %arg11[%get3A_161] {strides = array<i32>} : memref<3456xf32, #tpu.memory_space<vmem>>, vector<16xf32>,
      %sub3A_163 = arith.subf %get3A_158, %get3A_160 : vector<16xf32>
      %abs3A_164 = math.absf %sub3A_163 : vector<16xf32>
      %mul3A_165 = arith.mulf %abs3A_164, %get3A_162 : vector<16xf32>
      %add3A_166 = arith.addf %add3A_150, %mul3A_165 : vector<16xf32>
      %add3A_167 = arith.addf %add3A_151, %get3A_162 : vector<16xf32>
      scf.yield %add3A_166, %add3A_167 : vector<16xf32>, vector<16xf32>
    }
    %scan3A_75 = arith.constant 72 : i32
    %dma_wait3A_76 = arith.constant 1152 : i32
    %dma_wait3A_77 = tpu.memref_slice %arg9[%dma_wait3A_76] : memref<3456xf32, #tpu.memory_space<vmem>> -> memref<1152xf32, #tpu.memory_space<vmem>>
    %dma_wait3A_78 = arith.constant 0 : i32
    %dma_wait3A_79 = tpu.memref_slice %arg2[%dma_wait3A_78] : memref<17825792xf32, #tpu.memory_space<hbm>> -> memref<1152xf32, #tpu.memory_space<hbm>>
    %dma_wait3A_80 = arith.constant 1152 : i32
    %dma_wait3A_81 = tpu.memref_slice %arg9[%dma_wait3A_80] : memref<3456xf32, #tpu.memory_space<vmem>> -> memref<1152xf32, #tpu.memory_space<vmem>>
    %dma_wait3A_82 = arith.constant 0 : i32
    %dma_wait3A_83 = tpu.memref_slice %arg2[%dma_wait3A_82] : memref<17825792xf32, #tpu.memory_space<hbm>> -> memref<1152xf32, #tpu.memory_space<hbm>>
    tpu.wait_dma2 semaphore(%arg16 : memref<!tpu.dma_semaphore, #tpu.memory_space<semaphore_mem>>) src(%dma_wait3A_83 : memref<1152xf32, #tpu.memory_space<hbm>>) dst(%dma_wait3A_81 : memref<1152xf32, #tpu.memory_space<vmem>>)
    %scan3A_84 = arith.constant 72 : i32
    %scan3A_85 = arith.constant 72 : i32
    %scan3A_86 = arith.addi %scan3A_84, %scan3A_85 : i32
    %scan3A_87 = arith.constant 4 : i32
    %scan3A_88:2 = scf.for %scan3A_107 = %scan3A_84 to %scan3A_86 step %scan3A_87 iter_args(%scan3A_108 = %scan3A_74#0, %scan3A_109 = %scan3A_74#1) -> (vector<16xf32>, vector<16xf32>)  : i32 {
      %mul3A_110 = arith.constant 16 : i32
      %mul3A_111 = arith.muli %scan3A_107, %mul3A_110 : i32
      %multiple_of3A = tpu.assume_multiple %mul3A_111, 16 : i32
      %get3A = arith.index_cast %multiple_of3A : i32 to index
      %get3A_112 = tpu.vector_load %arg9[%get3A] {strides = array<i32>} : memref<3456xf32, #tpu.memory_space<vmem>>, vector<16xf32>,
      %get3A_113 = arith.index_cast %multiple_of3A : i32 to index
      %get3A_114 = tpu.vector_load %arg10[%get3A_113] {strides = array<i32>} : memref<3456xf32, #tpu.memory_space<vmem>>, vector<16xf32>,
      %get3A_115 = arith.index_cast %multiple_of3A : i32 to index
      %get3A_116 = tpu.vector_load %arg11[%get3A_115] {strides = array<i32>} : memref<3456xf32, #tpu.memory_space<vmem>>, vector<16xf32>,
      %sub3A = arith.subf %get3A_112, %get3A_114 : vector<16xf32>
      %abs3A = math.absf %sub3A : vector<16xf32>
      %mul3A_117 = arith.mulf %abs3A, %get3A_116 : vector<16xf32>
      %add3A_118 = arith.addf %scan3A_108, %mul3A_117 : vector<16xf32>
      %add3A_119 = arith.addf %scan3A_109, %get3A_116 : vector<16xf32>
      %scan3A_120 = arith.constant 1 : i32
      %scan3A_121 = arith.addi %scan3A_107, %scan3A_120 : i32
      %mul3A_122 = arith.constant 16 : i32
      %mul3A_123 = arith.muli %scan3A_121, %mul3A_122 : i32
      %multiple_of3A_124 = tpu.assume_multiple %mul3A_123, 16 : i32
      %get3A_125 = arith.index_cast %multiple_of3A_124 : i32 to index
      %get3A_126 = tpu.vector_load %arg9[%get3A_125] {strides = array<i32>} : memref<3456xf32, #tpu.memory_space<vmem>>, vector<16xf32>,
      %get3A_127 = arith.index_cast %multiple_of3A_124 : i32 to index
      %get3A_128 = tpu.vector_load %arg10[%get3A_127] {strides = array<i32>} : memref<3456xf32, #tpu.memory_space<vmem>>, vector<16xf32>,
      %get3A_129 = arith.index_cast %multiple_of3A_124 : i32 to index
      %get3A_130 = tpu.vector_load %arg11[%get3A_129] {strides = array<i32>} : memref<3456xf32, #tpu.memory_space<vmem>>, vector<16xf32>,
      %sub3A_131 = arith.subf %get3A_126, %get3A_128 : vector<16xf32>
      %abs3A_132 = math.absf %sub3A_131 : vector<16xf32>
      %mul3A_133 = arith.mulf %abs3A_132, %get3A_130 : vector<16xf32>
      %add3A_134 = arith.addf %add3A_118, %mul3A_133 : vector<16xf32>
      %add3A_135 = arith.addf %add3A_119, %get3A_130 : vector<16xf32>
      %scan3A_136 = arith.constant 2 : i32
      %scan3A_137 = arith.addi %scan3A_107, %scan3A_136 : i32
      %mul3A_138 = arith.constant 16 : i32
      %mul3A_139 = arith.muli %scan3A_137, %mul3A_138 : i32
      %multiple_of3A_140 = tpu.assume_multiple %mul3A_139, 16 : i32
      %get3A_141 = arith.index_cast %multiple_of3A_140 : i32 to index
      %get3A_142 = tpu.vector_load %arg9[%get3A_141] {strides = array<i32>} : memref<3456xf32, #tpu.memory_space<vmem>>, vector<16xf32>,
      %get3A_143 = arith.index_cast %multiple_of3A_140 : i32 to index
      %get3A_144 = tpu.vector_load %arg10[%get3A_143] {strides = array<i32>} : memref<3456xf32, #tpu.memory_space<vmem>>, vector<16xf32>,
      %get3A_145 = arith.index_cast %multiple_of3A_140 : i32 to index
      %get3A_146 = tpu.vector_load %arg11[%get3A_145] {strides = array<i32>} : memref<3456xf32, #tpu.memory_space<vmem>>, vector<16xf32>,
      %sub3A_147 = arith.subf %get3A_142, %get3A_144 : vector<16xf32>
      %abs3A_148 = math.absf %sub3A_147 : vector<16xf32>
      %mul3A_149 = arith.mulf %abs3A_148, %get3A_146 : vector<16xf32>
      %add3A_150 = arith.addf %add3A_134, %mul3A_149 : vector<16xf32>
      %add3A_151 = arith.addf %add3A_135, %get3A_146 : vector<16xf32>
      %scan3A_152 = arith.constant 3 : i32
      %scan3A_153 = arith.addi %scan3A_107, %scan3A_152 : i32
      %mul3A_154 = arith.constant 16 : i32
      %mul3A_155 = arith.muli %scan3A_153, %mul3A_154 : i32
      %multiple_of3A_156 = tpu.assume_multiple %mul3A_155, 16 : i32
      %get3A_157 = arith.index_cast %multiple_of3A_156 : i32 to index
      %get3A_158 = tpu.vector_load %arg9[%get3A_157] {strides = array<i32>} : memref<3456xf32, #tpu.memory_space<vmem>>, vector<16xf32>,
      %get3A_159 = arith.index_cast %multiple_of3A_156 : i32 to index
      %get3A_160 = tpu.vector_load %arg10[%get3A_159] {strides = array<i32>} : memref<3456xf32, #tpu.memory_space<vmem>>, vector<16xf32>,
      %get3A_161 = arith.index_cast %multiple_of3A_156 : i32 to index
      %get3A_162 = tpu.vector_load %arg11[%get3A_161] {strides = array<i32>} : memref<3456xf32, #tpu.memory_space<vmem>>, vector<16xf32>,
      %sub3A_163 = arith.subf %get3A_158, %get3A_160 : vector<16xf32>
      %abs3A_164 = math.absf %sub3A_163 : vector<16xf32>
      %mul3A_165 = arith.mulf %abs3A_164, %get3A_162 : vector<16xf32>
      %add3A_166 = arith.addf %add3A_150, %mul3A_165 : vector<16xf32>
      %add3A_167 = arith.addf %add3A_151, %get3A_162 : vector<16xf32>
      scf.yield %add3A_166, %add3A_167 : vector<16xf32>, vector<16xf32>
    }
    %scan3A_89 = arith.constant 72 : i32
    %dma_wait3A_90 = arith.constant 2304 : i32
    %dma_wait3A_91 = tpu.memref_slice %arg9[%dma_wait3A_90] : memref<3456xf32, #tpu.memory_space<vmem>> -> memref<1152xf32, #tpu.memory_space<vmem>>
    %dma_wait3A_92 = arith.constant 0 : i32
    %dma_wait3A_93 = tpu.memref_slice %arg2[%dma_wait3A_92] : memref<17825792xf32, #tpu.memory_space<hbm>> -> memref<1152xf32, #tpu.memory_space<hbm>>
    %dma_wait3A_94 = arith.constant 2304 : i32
    %dma_wait3A_95 = tpu.memref_slice %arg9[%dma_wait3A_94] : memref<3456xf32, #tpu.memory_space<vmem>> -> memref<1152xf32, #tpu.memory_space<vmem>>
    %dma_wait3A_96 = arith.constant 0 : i32
    %dma_wait3A_97 = tpu.memref_slice %arg2[%dma_wait3A_96] : memref<17825792xf32, #tpu.memory_space<hbm>> -> memref<1152xf32, #tpu.memory_space<hbm>>
    tpu.wait_dma2 semaphore(%arg17 : memref<!tpu.dma_semaphore, #tpu.memory_space<semaphore_mem>>) src(%dma_wait3A_97 : memref<1152xf32, #tpu.memory_space<hbm>>) dst(%dma_wait3A_95 : memref<1152xf32, #tpu.memory_space<vmem>>)
    %scan3A_98 = arith.constant 144 : i32
    %scan3A_99 = arith.constant 72 : i32
    %scan3A_100 = arith.addi %scan3A_98, %scan3A_99 : i32
    %scan3A_101 = arith.constant 4 : i32
    %scan3A_102:2 = scf.for %scan3A_107 = %scan3A_98 to %scan3A_100 step %scan3A_101 iter_args(%scan3A_108 = %scan3A_88#0, %scan3A_109 = %scan3A_88#1) -> (vector<16xf32>, vector<16xf32>)  : i32 {
      %mul3A_110 = arith.constant 16 : i32
      %mul3A_111 = arith.muli %scan3A_107, %mul3A_110 : i32
      %multiple_of3A = tpu.assume_multiple %mul3A_111, 16 : i32
      %get3A = arith.index_cast %multiple_of3A : i32 to index
      %get3A_112 = tpu.vector_load %arg9[%get3A] {strides = array<i32>} : memref<3456xf32, #tpu.memory_space<vmem>>, vector<16xf32>,
      %get3A_113 = arith.index_cast %multiple_of3A : i32 to index
      %get3A_114 = tpu.vector_load %arg10[%get3A_113] {strides = array<i32>} : memref<3456xf32, #tpu.memory_space<vmem>>, vector<16xf32>,
      %get3A_115 = arith.index_cast %multiple_of3A : i32 to index
      %get3A_116 = tpu.vector_load %arg11[%get3A_115] {strides = array<i32>} : memref<3456xf32, #tpu.memory_space<vmem>>, vector<16xf32>,
      %sub3A = arith.subf %get3A_112, %get3A_114 : vector<16xf32>
      %abs3A = math.absf %sub3A : vector<16xf32>
      %mul3A_117 = arith.mulf %abs3A, %get3A_116 : vector<16xf32>
      %add3A_118 = arith.addf %scan3A_108, %mul3A_117 : vector<16xf32>
      %add3A_119 = arith.addf %scan3A_109, %get3A_116 : vector<16xf32>
      %scan3A_120 = arith.constant 1 : i32
      %scan3A_121 = arith.addi %scan3A_107, %scan3A_120 : i32
      %mul3A_122 = arith.constant 16 : i32
      %mul3A_123 = arith.muli %scan3A_121, %mul3A_122 : i32
      %multiple_of3A_124 = tpu.assume_multiple %mul3A_123, 16 : i32
      %get3A_125 = arith.index_cast %multiple_of3A_124 : i32 to index
      %get3A_126 = tpu.vector_load %arg9[%get3A_125] {strides = array<i32>} : memref<3456xf32, #tpu.memory_space<vmem>>, vector<16xf32>,
      %get3A_127 = arith.index_cast %multiple_of3A_124 : i32 to index
      %get3A_128 = tpu.vector_load %arg10[%get3A_127] {strides = array<i32>} : memref<3456xf32, #tpu.memory_space<vmem>>, vector<16xf32>,
      %get3A_129 = arith.index_cast %multiple_of3A_124 : i32 to index
      %get3A_130 = tpu.vector_load %arg11[%get3A_129] {strides = array<i32>} : memref<3456xf32, #tpu.memory_space<vmem>>, vector<16xf32>,
      %sub3A_131 = arith.subf %get3A_126, %get3A_128 : vector<16xf32>
      %abs3A_132 = math.absf %sub3A_131 : vector<16xf32>
      %mul3A_133 = arith.mulf %abs3A_132, %get3A_130 : vector<16xf32>
      %add3A_134 = arith.addf %add3A_118, %mul3A_133 : vector<16xf32>
      %add3A_135 = arith.addf %add3A_119, %get3A_130 : vector<16xf32>
      %scan3A_136 = arith.constant 2 : i32
      %scan3A_137 = arith.addi %scan3A_107, %scan3A_136 : i32
      %mul3A_138 = arith.constant 16 : i32
      %mul3A_139 = arith.muli %scan3A_137, %mul3A_138 : i32
      %multiple_of3A_140 = tpu.assume_multiple %mul3A_139, 16 : i32
      %get3A_141 = arith.index_cast %multiple_of3A_140 : i32 to index
      %get3A_142 = tpu.vector_load %arg9[%get3A_141] {strides = array<i32>} : memref<3456xf32, #tpu.memory_space<vmem>>, vector<16xf32>,
      %get3A_143 = arith.index_cast %multiple_of3A_140 : i32 to index
      %get3A_144 = tpu.vector_load %arg10[%get3A_143] {strides = array<i32>} : memref<3456xf32, #tpu.memory_space<vmem>>, vector<16xf32>,
      %get3A_145 = arith.index_cast %multiple_of3A_140 : i32 to index
      %get3A_146 = tpu.vector_load %arg11[%get3A_145] {strides = array<i32>} : memref<3456xf32, #tpu.memory_space<vmem>>, vector<16xf32>,
      %sub3A_147 = arith.subf %get3A_142, %get3A_144 : vector<16xf32>
      %abs3A_148 = math.absf %sub3A_147 : vector<16xf32>
      %mul3A_149 = arith.mulf %abs3A_148, %get3A_146 : vector<16xf32>
      %add3A_150 = arith.addf %add3A_134, %mul3A_149 : vector<16xf32>
      %add3A_151 = arith.addf %add3A_135, %get3A_146 : vector<16xf32>
      %scan3A_152 = arith.constant 3 : i32
      %scan3A_153 = arith.addi %scan3A_107, %scan3A_152 : i32
      %mul3A_154 = arith.constant 16 : i32
      %mul3A_155 = arith.muli %scan3A_153, %mul3A_154 : i32
      %multiple_of3A_156 = tpu.assume_multiple %mul3A_155, 16 : i32
      %get3A_157 = arith.index_cast %multiple_of3A_156 : i32 to index
      %get3A_158 = tpu.vector_load %arg9[%get3A_157] {strides = array<i32>} : memref<3456xf32, #tpu.memory_space<vmem>>, vector<16xf32>,
      %get3A_159 = arith.index_cast %multiple_of3A_156 : i32 to index
      %get3A_160 = tpu.vector_load %arg10[%get3A_159] {strides = array<i32>} : memref<3456xf32, #tpu.memory_space<vmem>>, vector<16xf32>,
      %get3A_161 = arith.index_cast %multiple_of3A_156 : i32 to index
      %get3A_162 = tpu.vector_load %arg11[%get3A_161] {strides = array<i32>} : memref<3456xf32, #tpu.memory_space<vmem>>, vector<16xf32>,
      %sub3A_163 = arith.subf %get3A_158, %get3A_160 : vector<16xf32>
      %abs3A_164 = math.absf %sub3A_163 : vector<16xf32>
      %mul3A_165 = arith.mulf %abs3A_164, %get3A_162 : vector<16xf32>
      %add3A_166 = arith.addf %add3A_150, %mul3A_165 : vector<16xf32>
      %add3A_167 = arith.addf %add3A_151, %get3A_162 : vector<16xf32>
      scf.yield %add3A_166, %add3A_167 : vector<16xf32>, vector<16xf32>
    }
    %scan3A_103 = arith.constant 72 : i32
    %swap3A = arith.constant 0 : index
    %swap3A_104 = tpu.vector_load %arg14[%swap3A] {strides = array<i32>} : memref<128xf32, #tpu.memory_space<vmem>>, vector<16xf32>,
    tpu.vector_store %arg14[%swap3A], %scan3A_102#0 {strides = array<i32>} : memref<128xf32, #tpu.memory_space<vmem>>, vector<16xf32>,
    %swap3A_105 = arith.constant 16 : index
    %swap3A_106 = tpu.vector_load %arg14[%swap3A_105] {strides = array<i32>} : memref<128xf32, #tpu.memory_space<vmem>>, vector<16xf32>,
    tpu.vector_store %arg14[%swap3A_105], %scan3A_102#1 {strides = array<i32>} : memref<128xf32, #tpu.memory_space<vmem>>, vector<16xf32>,
    "tpu.region"() ({
      %run_scoped3A = tpu.sem_alloc : memref<!tpu.dma_semaphore, #tpu.memory_space<semaphore_mem>>
      %dma_start3A_107 = arith.constant 0 : i32
      %dma_start3A_108 = tpu.memref_slice %arg6[%add3A, %dma_start3A_107] : memref<32x128xf32, #tpu.memory_space<hbm>> -> memref<1x128xf32, #tpu.memory_space<hbm>>
      %dma_start3A_109 = tpu.memref_squeeze %dma_start3A_108 : memref<1x128xf32, #tpu.memory_space<hbm>> -> memref<128xf32, #tpu.memory_space<hbm>>
      %dma_start3A_110 = arith.constant 0 : i32
      %dma_start3A_111 = tpu.memref_slice %arg6[%add3A, %dma_start3A_110] : memref<32x128xf32, #tpu.memory_space<hbm>> -> memref<1x128xf32, #tpu.memory_space<hbm>>
      %dma_start3A_112 = tpu.memref_squeeze %dma_start3A_111 : memref<1x128xf32, #tpu.memory_space<hbm>> -> memref<128xf32, #tpu.memory_space<hbm>>
      tpu.enqueue_dma source(%arg14 : memref<128xf32, #tpu.memory_space<vmem>>) target(%dma_start3A_112 : memref<128xf32, #tpu.memory_space<hbm>>) target_semaphore(%run_scoped3A : memref<!tpu.dma_semaphore, #tpu.memory_space<semaphore_mem>>)
      %dma_wait3A_113 = arith.constant 0 : i32
      %dma_wait3A_114 = tpu.memref_slice %arg6[%add3A, %dma_wait3A_113] : memref<32x128xf32, #tpu.memory_space<hbm>> -> memref<1x128xf32, #tpu.memory_space<hbm>>
      %dma_wait3A_115 = tpu.memref_squeeze %dma_wait3A_114 : memref<1x128xf32, #tpu.memory_space<hbm>> -> memref<128xf32, #tpu.memory_space<hbm>>
      %dma_wait3A_116 = arith.constant 0 : i32
      %dma_wait3A_117 = tpu.memref_slice %arg6[%add3A, %dma_wait3A_116] : memref<32x128xf32, #tpu.memory_space<hbm>> -> memref<1x128xf32, #tpu.memory_space<hbm>>
      %dma_wait3A_118 = tpu.memref_squeeze %dma_wait3A_117 : memref<1x128xf32, #tpu.memory_space<hbm>> -> memref<128xf32, #tpu.memory_space<hbm>>
      tpu.wait_dma2 semaphore(%run_scoped3A : memref<!tpu.dma_semaphore, #tpu.memory_space<semaphore_mem>>) src(%arg14 : memref<128xf32, #tpu.memory_space<vmem>>) dst(%dma_wait3A_118 : memref<128xf32, #tpu.memory_space<hbm>>)
      tpu.yield
    }) : () -> ()
    return
  }
}

</mosaic_0001>

<sc_bundles>
// kernel: kernel.3.cloned.1.call-start
scs
__scs_entry_jumppad:
0x0: {  	(pc) =	sbr.rel $0x88, $3  }
0x1: {  	(tag) =	ssettag $0x0;
	lr =	simm.s32 $0x1  }
0x2: {  	[smem:$0x3F9D] =	sst lr;
	_ =	strace $0xD0000000  }
0x3: {  	_ = 	snop  }
0x4: {  	_ = 	snop  }
0x5: {  	_ = 	snop  }
0x6: {  	_ = 	snop  }
0x7: {  	_ = 	snop  }
__scs_overlays_trampoline_lowered:
0x8: {  	[smem:$0x3FAC] =	sst s0  }
0x9: {  	[smem:$0x3FAD] =	sst s1  }
0xa: {  	[smem:$0x3FAE] =	sst s2  }
0xb: {  	[smem:$0x3FAF] =	sst s3  }
0xc: {  	[smem:$0x3FB0] =	sst s4  }
0xd: {  	[smem:$0x3FB1] =	sst s5  }
0xe: {  	[smem:$0x3FB2] =	sst s6  }
0xf: {  	[smem:$0x3FB3] =	sst s7  }
0x10: {  	[smem:$0x3FB4] =	sst s8  }
0x11: {  	[smem:$0x3FB5] =	sst s9;
	s0 =	simm.s32 @!p0 $0x0  }
0x12: {  	s1 =	sld [smem:$0x3F9B];
	s0 =	simm.s32 @p0 $0x1  }
0x13: {  	[smem:$0x3FB6] =	sst s0;
	s0 =	simm.s32 @!p1 $0x0  }
0x14: {  	s2 =	sld [smem:$0x3F9A];
	s0 =	simm.s32 @p1 $0x1  }
0x15: {  	[smem:$0x3FB7] =	sst s0;
	s0 =	simm.s32 @!p2 $0x0  }
0x16: {  	s3 =	sld [smem:$0x3FDB];
	s0 =	simm.s32 @p2 $0x1  }
0x17: {  	s4 =	simm.s32 $0x1BF5;
	[smem:$0x3FB9] =	sst s0  }
0x18: {  	s0 =	sld [smem:$0x3F9C];
	_ =	swait.ge [sflag:s4], $0x0  }
0x19: {  	s7 =	sld [smem:$0x3F9D]  }
0x1a: {  	s8 =	sadd.s32 $0xFFFFE003, lr  }
0x1b: {  	s9 =	sadd.s32 $0xFFFFFEF7, lr;
	s5 =	simm.s32 $0xFFFFFFFF;
	p2 =	slt.u32 s8, $0xFFFFF086  }
0x1c: {  	p1 =	slt.u32 s9, $0xF7A;
	s5 =	simm.s32 @!p2 $0x0  }
0x1d: {  	s5 =	simm.s32 @p1 $0x1;
	p0 =	seq.s32 s7, s2  }
0x1e: {  	s7 =	smul.u32 @!p0 $0xF7A, s2;
	p2 =	seq.s32 @!p0 s5, $0x0  }
0x1f: {  	s9 =	smul.u32 $0xF7A, s1;
	s8 =	simm.s32 @!p0 $0x1BF5;
	p2 =	por !p2, p0  }
0x20: {  	[sflag:s8] =	ssyncset.s32 @!p0 $0xFFFFF086;
	s6 =	sadd.s32 @!p0 s3, s7;
	s7 =	simm.s32 @!p0 $0x108  }
0x21: {  	s3 =	sadd.s32 s3, s9;
	s6 =	sadd.s32 @!p0 $0x88, s6;
	s7 =	simm.s32 @p2 $0x1082  }
0x22: {  	[simem:s7], [sflag:s8] =	dma.local @!p0 [hbm:s6], $0xF7A  }
0x23: {  	s9 =	sor.u32 $0xD0000000, s2;
	s6 =	simm.s32 $0x108;
	_ =	swait.ge @!p0 [sflag:s8], $0x0  }
0x24: {  	s3 =	sadd.s32 $0x88, s3;
	s6 =	simm.s32 @!p1 $0x1082;
	[sflag:s4] =	ssyncset.s32 $0xFFFFF086  }
0x25: {  	[simem:s6], [sflag:s4] =	dma.local [hbm:s3], $0xF7A  }
0x26: {  	[smem:$0x3F9D] =	sst s1;
	(tag) =	ssettag s2;
	_ =	strace s9  }
0x27: {  	s1 =	sld [smem:$0x3FAD]  }
0x28: {  	s2 =	sld [smem:$0x3FAE]  }
0x29: {  	s4 =	sld [smem:$0x3FB0]  }
0x2a: {  	p0 =	seq.s32 s5, $0x0;
	s5 =	sld [smem:$0x3FB1]  }
0x2b: {  	s6 =	sld [smem:$0x3FB2]  }
0x2c: {  	s7 =	sld [smem:$0x3FB3]  }
0x2d: {  	s3 =	simm.s32 $0x108;
	s8 =	sld [smem:$0x3FB4]  }
0x2e: {  	s3 =	simm.s32 @!p0 $0x1082;
	s9 =	sld [smem:$0x3FB5]  }
0x2f: {  	lr =	sadd.s32 s0, s3;
	s0 =	sld [smem:$0x3FAC]  }
0x30: {  	s3 =	sld [smem:$0x3FAF]  }
0x31: {  	[smem:$0x3FB8] =	sst s10  }
0x32: {  	s10 =	sld [smem:$0x3FB6];
	_ =	sdelay $0x3  }
0x33: {  	p0 =	seq.s32 s10, $0x1;
	s10 =	sld [smem:$0x3FB8];
	_ =	sdelay $0x3  }
0x34: {  	[smem:$0x3FB8] =	sst s10  }
0x35: {  	s10 =	sld [smem:$0x3FB7];
	_ =	sdelay $0x3  }
0x36: {  	p1 =	seq.s32 s10, $0x1;
	s10 =	sld [smem:$0x3FB8];
	_ =	sdelay $0x3  }
0x37: {  	[smem:$0x3FB8] =	sst s10  }
0x38: {  	s10 =	sld [smem:$0x3FB9]  }
0x39: {  	_ = 	snop;
	(pc) =	sbr.ind lr, $3  }
0x3a: {  	_ = 	snop  }
0x3b: {  	_ = 	snop  }
0x3c: {  	p2 =	seq.s32 s10, $0x1;
	s10 =	sld [smem:$0x3FB8]  }
0x3d: {  	_ =	shalt  }
0x3e: {  	_ =	shalt  }
0x3f: {  	_ =	shalt  }
0x40: {  	_ =	shalt  }
0x41: {  	_ =	shalt  }
0x42: {  	_ =	shalt  }
0x43: {  	_ =	shalt  }
0x44: {  	_ =	shalt  }
0x45: {  	_ =	shalt  }
0x46: {  	_ =	shalt  }
0x47: {  	_ =	shalt  }
0x48: {  	_ =	shalt  }
0x49: {  	_ =	shalt  }
0x4a: {  	_ =	shalt  }
0x4b: {  	_ =	shalt  }
0x4c: {  	_ =	shalt  }
0x4d: {  	_ =	shalt  }
0x4e: {  	_ =	shalt  }
0x4f: {  	_ =	shalt  }
0x50: {  	_ =	shalt  }
0x51: {  	_ =	shalt  }
0x52: {  	_ =	shalt  }
0x53: {  	_ =	shalt  }
0x54: {  	_ =	shalt  }
0x55: {  	_ =	shalt  }
0x56: {  	_ =	shalt  }
0x57: {  	_ =	shalt  }
0x58: {  	_ =	shalt  }
0x59: {  	_ =	shalt  }
0x5a: {  	_ =	shalt  }
0x5b: {  	_ =	shalt  }
0x5c: {  	_ =	shalt  }
0x5d: {  	_ =	shalt  }
0x5e: {  	_ =	shalt  }
0x5f: {  	_ =	shalt  }
0x60: {  	_ =	shalt  }
0x61: {  	_ =	shalt  }
0x62: {  	_ =	shalt  }
0x63: {  	_ =	shalt  }
0x64: {  	_ =	shalt  }
0x65: {  	_ =	shalt  }
0x66: {  	_ =	shalt  }
0x67: {  	_ =	shalt  }
0x68: {  	_ =	shalt  }
0x69: {  	_ =	shalt  }
0x6a: {  	_ =	shalt  }
0x6b: {  	_ =	shalt  }
0x6c: {  	_ =	shalt  }
0x6d: {  	_ =	shalt  }
0x6e: {  	_ =	shalt  }
0x6f: {  	_ =	shalt  }
0x70: {  	_ =	shalt  }
0x71: {  	_ =	shalt  }
0x72: {  	_ =	shalt  }
0x73: {  	_ =	shalt  }
0x74: {  	_ =	shalt  }
0x75: {  	_ =	shalt  }
0x76: {  	_ =	shalt  }
0x77: {  	_ =	shalt  }
0x78: {  	_ =	shalt  }
0x79: {  	_ =	shalt  }
0x7a: {  	_ =	shalt  }
0x7b: {  	_ =	shalt  }
0x7c: {  	_ =	shalt  }
0x7d: {  	_ =	shalt  }
0x7e: {  	_ =	shalt  }
0x7f: {  	_ =	shalt  }
0x80: {  	_ =	shalt  }
0x81: {  	_ =	shalt  }
0x82: {  	_ =	shalt  }
0x83: {  	_ =	shalt  }
0x84: {  	_ =	shalt  }
0x85: {  	_ =	shalt  }
0x86: {  	_ =	shalt  }
0x87: {  	_ =	shalt  }
.Lfunc_end0:
.L_simem_size_0:
called_computation_lowered:
.L_overlay_start_0:
0x88: {  	s2 =	sld [smem:$0x3FD9]  }
0x89: {  	s3 =	sld [smem:$0x3FFE];
	_ =	sdelay $0x1  }
0x8a: {  	s1 =	srdreg.scid  }
0x8b: {  	s0 =	sand.u32 $0x1, s1  }
0x8c: {  	s17 =	sshll.u32 s0, $0xA;
	s2 =	sadd.s32 s3, s2  }
0x8d: {  	s2 =	sadd.s32 s2, s17  }
0x8e: {  	[smem:$0x3FC4] =	sst s2  }
0x8f: {  	_ = 	snop  }
0x90: {  	s2 =	sld [smem:$0x3FC9];
	(tm) =	ssettm $0x1  }
0x91: {  	s18 =	sld [smem:$0x3FFB];
	_ =	sdelay $0x3  }
0x92: {  	_ =	strace s18  }
0x93: {  	s3 =	sld [smem:$0x3FFC];
	_ =	sdelay $0x3  }
0x94: {  	_ =	strace s3  }
0x95: {  	s3 =	sld [smem:$0x3FFD];
	_ =	sdelay $0x3  }
0x96: {  	_ =	strace s3  }
0x97: {  	_ =	strace $0x8FFFFFFF  }
0x98: {  	s19 =	sld [smem:$0x3FDB];
	_ =	sdelay $0x1  }
0x99: {  	s4 =	simm.s32 $_scs_section_size  }
0x9a: {  	s5 =	simm.s32 $_size__tile_overlayer_lowered;
	s6 =	simm.s32 $_tile_overlayer_lowered  }
0x9b: {  	s22 =	simm.s32 $0x1BFF;
	s21 =	sshll.u32 s6, $0x1;
	s3 =	sadd.s32 s4, s19  }
0x9c: {  	s7 =	simm.s32 $0x0;
	s20 =	sshll.u32 s5, $0x1;
	s5 =	sadd.s32 s21, s3  }
0x9d: {  	[timem:s7], [sflag:s22] =	dma.local [hbm:s5], s20  }
0x9e: {  	_ =	swait.ge [sflag:s22], s20  }
0x9f: {  	s4 =	ssub.s32 $0x0, s20;
	[sflag:s22] =	ssyncset.done $0x0  }
0xa0: {  	[sflag:s22] =	ssyncadd.s32 s4;
	_ =	sdelay $0x1  }
0xa1: {  	s23 =	simm.s32 $0x1B8B  }
0xa2: {  	_ =	swait.ge [sflag:s23], $0x1  }
0xa3: {  	[sflag:s23] =	ssyncset.done $0x0  }
0xa4: {  	s25 =	simm.s32 $0x1B8E;
	s24 =	sld [smem:$0x3FFE];
	[sflag:s23] =	ssyncadd.s32 $0xFFFFFFFF  }
0xa5: {  	s26 =	simm.s32 $execute0_lowered;
	[smem:$0x3FD2] =	sst s25  }
0xa6: {  	s5 =	sshll.u32 s26, $0x1;
	_ =	strace $0x80000046;
	[dreg:$0x1] =	wrdreg $0xFFFFFFFF  }
0xa7: {  	s28 =	simm.s32 $_size_execute0_lowered;
	s3 =	sadd.s32 s3, s5;
	[dreg:$0x0] =	wrdreg $0x0  }
0xa8: {  	s5 =	sshll.u32 s28, $0x1;
	[dreg:$0x2] =	wrdreg s3  }
0xa9: {  	[dreg:$0x3] =	wrdreg s5  }
0xaa: {  	[dreg:$0x4] =	wrdreg $0xC0  }
0xab: {  	_ =	task [dreg:s7], $0x5FFFF  }
0xac: {  	[dreg:$0x1] =	wrdreg $0xFFFFFFFF  }
0xad: {  	[dreg:$0x0] =	wrdreg $0x60  }
0xae: {  	[dreg:$0x2] =	wrdreg s2  }
0xaf: {  	[dreg:$0x3] =	wrdreg s24  }
0xb0: {  	[dreg:$0x4] =	wrdreg $0x9  }
0xb1: {  	_ =	task.clear_ibuf [dreg:s7], $0x5FFFF;
	_ =	strace $0x90000046  }
0xb2: {  	s29 =	simm.s32 $0x9;
	_ =	strace $0x80000048  }
0xb3: {  	_ =	swait.ge [sflag:s29], $0x1  }
0xb4: {  	[sflag:s29] =	ssyncadd.s32 $0xFFFFFFFF  }
0xb5: {  	_ =	strace $0x90000048  }
0xb6: {  	_ =	sfence  }
0xb7: {  	s30 =	sld [smem:$0x0];
	_ =	sdelay $0x2  }
0xb8: {  	s31 =	sshll.u32 s1, $0xD;
	s1 =	sshrl.u32 s1, $0x2  }
0xb9: {  	s3 =	sand.u32 $0x4000, s31;
	s1 =	sadd.s32 s1, s30  }
0xba: {  	s0 =	sor.u32 s3, s0;
	s1 =	sshll.u32 s1, $0x11  }
0xbb: {  	s0 =	sor.u32 s1, s0  }
0xbc: {  	s0 =	sadd.s32 $0x8F2B, s0  }
0xbd: {  	[sflag:s0] =	ssyncadd.remote.s32 $0x1  }
0xbe: {  	_ =	sfence.sel $0xFFFF  }
0xbf: {  	[dreg:$0x0] =	wrdreg $0xFFFFFFFF;
	(pc) =	sbr.abs _section_cstart, $3  }
0xc0: {  	[dreg:$0x1] =	wrdreg $0xFFFFFFFF  }
0xc1: {  	_ =	task.clear_ibuf [dreg:s7], $0x2FFFF;
	_ =	strace $0x9FFFFFFF  }
0xc2: {  	(tm) =	ssettm $0x7FFFFFFF  }
0xc3: {  	_ =	shalt  }
tec
execute0_lowered:
.L_overlay_start_1:
0x0: {  	(tag) =	ssettag $0x1  }
0x1: {  	s2 =	rddreg [dreg:$0x0]  }
0x2: {  	s1 =	srdreg.scid;
	s0 =	stileid.u32  }
0x3: {  	s4 =	rddreg [dreg:$0x1];
	s10 =	simm.s32 $0x1B80;
	s11 =	simm.s32 $0x2900  }
0x4: {  	s12 =	simm.s32 $0x4;
	s13 =	simm.s32 $0x80;
	s14 =	simm.s32 $0x5  }
0x5: {  	s15 =	simm.s32 $0x1;
	s16 =	simm.s32 $0x2;
	s17 =	simm.s32 $0x3  }
0x6: {  	s19 =	simm.s32 $0x6;
	s20 =	simm.s32 $0x0;
	s5 =	sand.u32 $0x1, s1  }
0x7: {  	s3 =	sshll.u32 s0, $0x1;
	s1 =	rddreg [dreg:$0x2];
	s6 =	sshrl.u32 s0, $0x2  }
0x8: {  	s7 =	sor.u32 s5, s3;
	s3 =	simm.s32 $0x0;
	s9 =	smul.u32 $0x6C00, s6  }
0x9: {  	s6 =	sshll.u32 s6, $0xA;
	s5 =	ssub.s32 $0x2, s5;
	s8 =	sshll.u32 s7, $0x7  }
0xa: {  	[smem:$0x7FF] =	sst s3;
	s30 =	sshrl.u32 s5, $0x1;
	s18 =	smul.u32 $0x88000, s7  }
0xb: {  	s8 =	sand.u32 $0x380, s8;
	_ =	strace $0x80000047;
	s31 =	ssub.s32 s5, s30  }
0xc: {  	s6 =	sor.u32 s6, s8;
	s8 =	sor.u32 s9, s8;
	s9 =	simm.s32 $0x400  }
0xd: {  	v0 =	vmov s18;
	s18 =	simm.s32 $0x3680;
	s6 =	sshrl.u32 s6, $0x3;
	s8 =	sshrl.u32 s8, $0x3  }
0xe: {  	s29 =	sadd.s32 s6, s4;
	s4 =	sadd.s32 s4, s8;
	s8 =	smax.u32 s31, $0x1  }
0xf: {  	v1 =	vlaneseq.u32;
	s5 =	sadd.s32 $0x6C00, s29;
	s6 =	sadd.s32 $0x3600, s4;
	s7 =	sadd.s32 $0x6E00, s29  }
.LBB2_1:
0x10: {  	s21 =	simm.s32 $0x0  }
0x11: {  	[tilespmem:s3], [sflag:$0x4] =	stream.linear.gather [hbm4b:s5+s3], $0x80, $0x38;
	v2 =	vor.u32 s21, v1;
	[tilespmem:$0x3700] =	vst v63  }
0x12: {  	v3 =	vmulhi.u32 $0xF0F0F0F1, v2  }
0x13: {  	[tilespmem:s10], [sflag:$0x5] =	stream.strided.gather [hbm4b:s6+s13], $0xD80, s9, s13, $0x38;
	[tilespmem:$0x3700] =	vst v63  }
0x14: {  	v3 =	vshrl.u32 v3, $0x5  }
0x15: {  	[tilespmem:s11], [sflag:$0x5] =	stream.strided.gather [hbm4b:s4+s13], $0xD80, s9, s13, $0x38;
	[tilespmem:$0x3700] =	vst v63  }
0x16: {  	_ =	swait.ge [sflag:s12], $0x80  }
0x17: {  	s22 =	simm.s32 $0x10;
	[sflag:s12] =	ssyncset.done $0x0  }
0x18: {  	v4 =	vor.u32 s22, v1;
	[sflag:s12] =	ssyncadd.s32 $0xFFFFFF80  }
0x19: {  	v6 =	vmulhi.u32 $0xF0F0F0F1, v4;
	v5 =	vmul.u32 $0x3FFDE, v3;
	v3 =	vld.idx.msk [tilespmem:v3+s3+$0x0], $0xffff;
	_ =	sdelay $0x1  }
0x1a: {  	v2 =	vadd.s32 v2, v5;
	v5 =	vshrl.u32 v6, $0x5  }
0x1b: {  	v2 =	vshll.u32 v2, $0xE  }
0x1c: {  	v2 =	vadd.s32 v0, v2  }
0x1d: {  	s23 =	simm.s32 $0x20;
	v2 =	vadd.s32 v3, v2  }
0x1e: {  	[tilespmem:s13+$0x0] =	vst v2;
	v2 =	vor.u32 s23, v1  }
0x1f: {  	v3 =	vmul.u32 $0x3FFDE, v5;
	v5 =	vld.idx.msk [tilespmem:v5+s3+$0x0], $0xffff;
	v57 =	vmulhi.u32 $0xF0F0F0F1, v2;
	_ =	sdelay $0x1  }
0x20: {  	v3 =	vadd.s32 v4, v3;
	v4 =	vshrl.u32 v57, $0x5  }
0x21: {  	v3 =	vshll.u32 v3, $0xE  }
0x22: {  	v3 =	vadd.s32 v0, v3  }
0x23: {  	s24 =	simm.s32 $0x30;
	v3 =	vadd.s32 v5, v3  }
0x24: {  	[tilespmem:s13+$0x10] =	vst v3;
	v3 =	vor.u32 s24, v1  }
0x25: {  	v5 =	vmul.u32 $0x3FFDE, v4;
	v4 =	vld.idx.msk [tilespmem:v4+s3+$0x0], $0xffff;
	v58 =	vmulhi.u32 $0xF0F0F0F1, v3;
	_ =	sdelay $0x1  }
0x26: {  	v2 =	vadd.s32 v2, v5;
	v5 =	vshrl.u32 v58, $0x5  }
0x27: {  	v2 =	vshll.u32 v2, $0xE  }
0x28: {  	v2 =	vadd.s32 v0, v2  }
0x29: {  	s25 =	simm.s32 $0x40;
	v2 =	vadd.s32 v4, v2  }
0x2a: {  	[tilespmem:s13+$0x20] =	vst v2;
	v2 =	vor.u32 s25, v1  }
0x2b: {  	v4 =	vmul.u32 $0x3FFDE, v5;
	v5 =	vld.idx.msk [tilespmem:v5+s3+$0x0], $0xffff;
	v59 =	vmulhi.u32 $0xF0F0F0F1, v2;
	_ =	sdelay $0x1  }
0x2c: {  	v3 =	vadd.s32 v3, v4;
	v4 =	vshrl.u32 v59, $0x5  }
0x2d: {  	v3 =	vshll.u32 v3, $0xE  }
0x2e: {  	v3 =	vadd.s32 v0, v3  }
0x2f: {  	s26 =	simm.s32 $0x50;
	v3 =	vadd.s32 v5, v3  }
0x30: {  	[tilespmem:s13+$0x30] =	vst v3;
	v3 =	vor.u32 s26, v1  }
0x31: {  	v5 =	vmul.u32 $0x3FFDE, v4;
	v4 =	vld.idx.msk [tilespmem:v4+s3+$0x0], $0xffff;
	v60 =	vmulhi.u32 $0xF0F0F0F1, v3;
	_ =	sdelay $0x1  }
0x32: {  	v2 =	vadd.s32 v2, v5;
	v5 =	vshrl.u32 v60, $0x5  }
0x33: {  	v2 =	vshll.u32 v2, $0xE  }
0x34: {  	v2 =	vadd.s32 v0, v2  }
0x35: {  	s29 =	simm.s32 $0x60;
	v2 =	vadd.s32 v4, v2  }
0x36: {  	[tilespmem:s13+$0x40] =	vst v2;
	v2 =	vor.u32 s29, v1  }
0x37: {  	v4 =	vmul.u32 $0x3FFDE, v5;
	v5 =	vld.idx.msk [tilespmem:v5+s3+$0x0], $0xffff;
	v61 =	vmulhi.u32 $0xF0F0F0F1, v2;
	_ =	sdelay $0x1  }
0x38: {  	v3 =	vadd.s32 v3, v4;
	v4 =	vshrl.u32 v61, $0x5  }
0x39: {  	v3 =	vshll.u32 v3, $0xE  }
0x3a: {  	v3 =	vadd.s32 v0, v3  }
0x3b: {  	s30 =	simm.s32 $0x70;
	v3 =	vadd.s32 v5, v3  }
0x3c: {  	[tilespmem:s13+$0x50] =	vst v3;
	v3 =	vor.u32 s30, v1  }
0x3d: {  	v5 =	vmul.u32 $0x3FFDE, v4;
	v4 =	vld.idx.msk [tilespmem:v4+s3+$0x0], $0xffff;
	v62 =	vmulhi.u32 $0xF0F0F0F1, v3;
	_ =	sdelay $0x1  }
0x3e: {  	v2 =	vadd.s32 v2, v5;
	v5 =	vshrl.u32 v62, $0x5  }
0x3f: {  	v2 =	vshll.u32 v2, $0xE  }
0x40: {  	v2 =	vadd.s32 v0, v2  }
0x41: {  	v2 =	vadd.s32 v4, v2  }
0x42: {  	s31 =	simm.s32 $0x80;
	[tilespmem:s13+$0x60] =	vst v2  }
0x43: {  	v2 =	vmul.u32 $0x3FFDE, v5;
	v4 =	vld.idx.msk [tilespmem:v5+s3+$0x0], $0xffff;
	v5 =	vor.u32 s31, v1  }
0x44: {  	v63 =	vmulhi.u32 $0xF0F0F0F1, v5  }
0x45: {  	v2 =	vadd.s32 v3, v2  }
0x46: {  	v3 =	vshll.u32 v2, $0xE;
	v2 =	vshrl.u32 v63, $0x5  }
0x47: {  	s28 =	simm.s32 $0x90;
	v3 =	vadd.s32 v0, v3;
	v6 =	vmul.u32 $0x3FFDE, v2  }
0x48: {  	s21 =	simm.s32 $0xE80;
	s22 =	simm.s32 $0x100;
	s23 =	simm.s32 $0xF0;
	v4 =	vadd.s32 v4, v3  }
0x49: {  	s24 =	simm.s32 $0x170;
	s25 =	simm.s32 $0xE00;
	s26 =	simm.s32 $0x80;
	v3 =	vadd.s32 v5, v6;
	[tilespmem:s13+$0x70] =	vst v4  }
.LBB2_2:
0x4a: {  	[tilespmem:s25], [sflag:$0x1] =	stream.indirect.gather [hbm4b:s2+s13], $0x1, s26, s13, $0xb8;
	[tilespmem:$0x3700] =	vst v63  }
0x4b: {  	p0 =	sne.s32 s24, $0x470;
	v4 =	vor.u32 s28, v1;
	s28 =	smov.u32 s24;
	s24 =	sadd.s32 $0x80, s24;
	v2 =	vld.idx.msk [tilespmem:v2+s3+$0x0], $0xffff  }
0x4c: {  	s25 =	smov.u32 s21;
	s26 =	smov.u32 s22;
	v5 =	vmulhi.u32 $0xF0F0F0F1, v4;
	_ =	sdelay $0x1  }
0x4d: {  	v5 =	vshrl.u32 v5, $0x5  }
0x4e: {  	v3 =	vshll.u32 v3, $0xE;
	v6 =	vmul.u32 $0x3FFDE, v5  }
0x4f: {  	v3 =	vadd.s32 v0, v3  }
0x50: {  	v2 =	vadd.s32 v2, v3;
	v3 =	vadd.s32 v4, v6  }
0x51: {  	s29 =	sadd.s32 $0xFFFFFFB0, s23;
	[tilespmem:s22+$0x0] =	vst v2;
	v2 =	vshll.u32 v3, $0xE  }
0x52: {  	v4 =	vor.u32 s29, v1;
	v3 =	vld.idx.msk [tilespmem:v5+s3+$0x0], $0xffff  }
0x53: {  	v5 =	vmulhi.u32 $0xF0F0F0F1, v4;
	_ =	sdelay $0x1  }
0x54: {  	v5 =	vshrl.u32 v5, $0x5  }
0x55: {  	v6 =	vmul.u32 $0x3FFDE, v5  }
0x56: {  	v2 =	vadd.s32 v0, v2  }
0x57: {  	v2 =	vadd.s32 v3, v2;
	v3 =	vadd.s32 v4, v6  }
0x58: {  	s29 =	sadd.s32 $0xFFFFFFC0, s23;
	[tilespmem:s22+$0x10] =	vst v2;
	v2 =	vshll.u32 v3, $0xE  }
0x59: {  	v4 =	vor.u32 s29, v1;
	v3 =	vld.idx.msk [tilespmem:v5+s3+$0x0], $0xffff  }
0x5a: {  	v5 =	vmulhi.u32 $0xF0F0F0F1, v4;
	_ =	sdelay $0x1  }
0x5b: {  	v5 =	vshrl.u32 v5, $0x5  }
0x5c: {  	v6 =	vmul.u32 $0x3FFDE, v5  }
0x5d: {  	v2 =	vadd.s32 v0, v2  }
0x5e: {  	v2 =	vadd.s32 v3, v2;
	v3 =	vadd.s32 v4, v6  }
0x5f: {  	s29 =	sadd.s32 $0xFFFFFFD0, s23;
	[tilespmem:s22+$0x20] =	vst v2;
	v2 =	vshll.u32 v3, $0xE  }
0x60: {  	v4 =	vor.u32 s29, v1;
	v3 =	vld.idx.msk [tilespmem:v5+s3+$0x0], $0xffff  }
0x61: {  	v5 =	vmulhi.u32 $0xF0F0F0F1, v4;
	_ =	sdelay $0x1  }
0x62: {  	v5 =	vshrl.u32 v5, $0x5  }
0x63: {  	v6 =	vmul.u32 $0x3FFDE, v5  }
0x64: {  	v2 =	vadd.s32 v0, v2  }
0x65: {  	v2 =	vadd.s32 v3, v2;
	v3 =	vadd.s32 v4, v6  }
0x66: {  	s29 =	sadd.s32 $0xFFFFFFE0, s23;
	[tilespmem:s22+$0x30] =	vst v2;
	v2 =	vshll.u32 v3, $0xE  }
0x67: {  	v4 =	vor.u32 s29, v1;
	v3 =	vld.idx.msk [tilespmem:v5+s3+$0x0], $0xffff  }
0x68: {  	v5 =	vmulhi.u32 $0xF0F0F0F1, v4;
	_ =	sdelay $0x1  }
0x69: {  	v5 =	vshrl.u32 v5, $0x5  }
0x6a: {  	v6 =	vmul.u32 $0x3FFDE, v5  }
0x6b: {  	v2 =	vadd.s32 v0, v2  }
0x6c: {  	v2 =	vadd.s32 v3, v2;
	v3 =	vadd.s32 v4, v6  }
0x6d: {  	s29 =	sadd.s32 $0xFFFFFFF0, s23;
	[tilespmem:s22+$0x40] =	vst v2;
	v2 =	vshll.u32 v3, $0xE  }
0x6e: {  	v4 =	vor.u32 s29, v1;
	v3 =	vld.idx.msk [tilespmem:v5+s3+$0x0], $0xffff  }
0x6f: {  	v5 =	vmulhi.u32 $0xF0F0F0F1, v4;
	_ =	sdelay $0x1  }
0x70: {  	v5 =	vshrl.u32 v5, $0x5  }
0x71: {  	v6 =	vmul.u32 $0x3FFDE, v5  }
0x72: {  	v2 =	vadd.s32 v0, v2  }
0x73: {  	v2 =	vadd.s32 v3, v2;
	v3 =	vadd.s32 v4, v6  }
0x74: {  	[tilespmem:s22+$0x50] =	vst v2;
	v2 =	vshll.u32 v3, $0xE  }
0x75: {  	v4 =	vor.u32 s23, v1;
	s23 =	smov.u32 s28;
	v3 =	vld.idx.msk [tilespmem:v5+s3+$0x0], $0xffff  }
0x76: {  	v5 =	vmulhi.u32 $0xF0F0F0F1, v4;
	_ =	sdelay $0x1  }
0x77: {  	v5 =	vshrl.u32 v5, $0x5  }
0x78: {  	v6 =	vmul.u32 $0x3FFDE, v5  }
0x79: {  	v2 =	vadd.s32 v0, v2  }
0x7a: {  	v2 =	vadd.s32 v3, v2;
	v3 =	vadd.s32 v4, v6  }
0x7b: {  	v3 =	vshll.u32 v3, $0xE;
	[tilespmem:s22+$0x60] =	vst v2  }
0x7c: {  	s28 =	sadd.s32 $0xFFFFFF90, s23;
	v4 =	vld.idx.msk [tilespmem:v5+s3+$0x0], $0xffff  }
0x7d: {  	v5 =	vor.u32 s28, v1  }
0x7e: {  	v2 =	vmulhi.u32 $0xF0F0F0F1, v5  }
.Ltmp0:
0x7f: {  	(pc) =	sbr.rel @p0 .LBB2_2-.Ltmp0, $4  }
0x80: {  	v2 =	vshrl.u32 v2, $0x5  }
0x81: {  	v3 =	vadd.s32 v0, v3;
	v6 =	vmul.u32 $0x3FFDE, v2  }
0x82: {  	v4 =	vadd.s32 v4, v3  }
0x83: {  	s21 =	sadd.s32 $0x80, s21;
	s22 =	sadd.s32 $0x80, s22;
	s28 =	sadd.s32 $0xFFFFFFA0, s23;
	v3 =	vadd.s32 v5, v6;
	[tilespmem:s26+$0x70] =	vst v4  }
0x84: {  	_ =	sdelay $0x2  }
0x85: {  	[tilespmem:s25], [sflag:$0x1] =	stream.indirect.gather [hbm4b:s2+s13], $0x1, s26, s13, $0xb8;
	v4 =	vor.u32 s28, v1;
	[tilespmem:$0x3700] =	vst v63  }
0x86: {  	v2 =	vld.idx.msk [tilespmem:v2+s3+$0x0], $0xffff;
	v5 =	vmulhi.u32 $0xF0F0F0F1, v4;
	_ =	sdelay $0x1  }
0x87: {  	v5 =	vshrl.u32 v5, $0x5  }
0x88: {  	v3 =	vshll.u32 v3, $0xE  }
0x89: {  	v3 =	vadd.s32 v0, v3  }
0x8a: {  	s24 =	sadd.s32 $0xFFFFFFB0, s23;
	v2 =	vadd.s32 v2, v3  }
0x8b: {  	[tilespmem:s22+$0x0] =	vst v2;
	v2 =	vor.u32 s24, v1  }
0x8c: {  	v3 =	vmul.u32 $0x3FFDE, v5;
	v5 =	vld.idx.msk [tilespmem:v5+s3+$0x0], $0xffff;
	v6 =	vmulhi.u32 $0xF0F0F0F1, v2;
	_ =	sdelay $0x1  }
0x8d: {  	v3 =	vadd.s32 v4, v3;
	v4 =	vshrl.u32 v6, $0x5  }
0x8e: {  	v3 =	vshll.u32 v3, $0xE  }
0x8f: {  	v3 =	vadd.s32 v0, v3  }
0x90: {  	s31 =	sadd.s32 $0xFFFFFFC0, s23;
	v3 =	vadd.s32 v5, v3  }
0x91: {  	[tilespmem:s22+$0x10] =	vst v3;
	v3 =	vor.u32 s31, v1  }
0x92: {  	v5 =	vmul.u32 $0x3FFDE, v4;
	v4 =	vld.idx.msk [tilespmem:v4+s3+$0x0], $0xffff;
	v53 =	vmulhi.u32 $0xF0F0F0F1, v3;
	_ =	sdelay $0x1  }
0x93: {  	v2 =	vadd.s32 v2, v5;
	v5 =	vshrl.u32 v53, $0x5  }
0x94: {  	v2 =	vshll.u32 v2, $0xE  }
0x95: {  	v2 =	vadd.s32 v0, v2  }
0x96: {  	s25 =	sadd.s32 $0xFFFFFFD0, s23;
	v2 =	vadd.s32 v4, v2  }
0x97: {  	[tilespmem:s22+$0x20] =	vst v2;
	v2 =	vor.u32 s25, v1  }
0x98: {  	v4 =	vmul.u32 $0x3FFDE, v5;
	v5 =	vld.idx.msk [tilespmem:v5+s3+$0x0], $0xffff;
	v54 =	vmulhi.u32 $0xF0F0F0F1, v2;
	_ =	sdelay $0x1  }
0x99: {  	v3 =	vadd.s32 v3, v4;
	v4 =	vshrl.u32 v54, $0x5  }
0x9a: {  	v3 =	vshll.u32 v3, $0xE  }
0x9b: {  	v3 =	vadd.s32 v0, v3  }
0x9c: {  	s26 =	sadd.s32 $0xFFFFFFE0, s23;
	v3 =	vadd.s32 v5, v3  }
0x9d: {  	[tilespmem:s22+$0x30] =	vst v3;
	v3 =	vor.u32 s26, v1  }
0x9e: {  	v5 =	vmul.u32 $0x3FFDE, v4;
	v4 =	vld.idx.msk [tilespmem:v4+s3+$0x0], $0xffff;
	v55 =	vmulhi.u32 $0xF0F0F0F1, v3;
	_ =	sdelay $0x1  }
0x9f: {  	v2 =	vadd.s32 v2, v5;
	v5 =	vshrl.u32 v55, $0x5  }
0xa0: {  	v2 =	vshll.u32 v2, $0xE  }
0xa1: {  	v2 =	vadd.s32 v0, v2  }
0xa2: {  	s29 =	sadd.s32 $0xFFFFFFF0, s23;
	v2 =	vadd.s32 v4, v2  }
0xa3: {  	[tilespmem:s22+$0x40] =	vst v2;
	v2 =	vor.u32 s29, v1  }
0xa4: {  	v4 =	vmul.u32 $0x3FFDE, v5;
	v5 =	vld.idx.msk [tilespmem:v5+s3+$0x0], $0xffff;
	v56 =	vmulhi.u32 $0xF0F0F0F1, v2;
	_ =	sdelay $0x1  }
0xa5: {  	v3 =	vadd.s32 v3, v4;
	v4 =	vshrl.u32 v56, $0x5  }
0xa6: {  	v3 =	vshll.u32 v3, $0xE  }
0xa7: {  	v3 =	vadd.s32 v0, v3  }
0xa8: {  	v3 =	vadd.s32 v5, v3  }
0xa9: {  	[tilespmem:s22+$0x50] =	vst v3;
	v3 =	vor.u32 s23, v1  }
0xaa: {  	v5 =	vmul.u32 $0x3FFDE, v4;
	v4 =	vld.idx.msk [tilespmem:v4+s3+$0x0], $0xffff;
	v57 =	vmulhi.u32 $0xF0F0F0F1, v3;
	_ =	sdelay $0x1  }
0xab: {  	v2 =	vadd.s32 v2, v5;
	v5 =	vshrl.u32 v57, $0x5  }
0xac: {  	v2 =	vshll.u32 v2, $0xE  }
0xad: {  	v2 =	vadd.s32 v0, v2  }
0xae: {  	s30 =	simm.s32 $0x480;
	v2 =	vadd.s32 v4, v2  }
0xaf: {  	[tilespmem:s22+$0x60] =	vst v2;
	v2 =	vor.u32 s30, v1  }
0xb0: {  	v4 =	vmul.u32 $0x3FFDE, v5;
	v5 =	vld.idx.msk [tilespmem:v5+s3+$0x0], $0xffff;
	v58 =	vmulhi.u32 $0xF0F0F0F1, v2;
	_ =	sdelay $0x1  }
0xb1: {  	v3 =	vadd.s32 v3, v4;
	v4 =	vshrl.u32 v58, $0x5  }
0xb2: {  	v3 =	vshll.u32 v3, $0xE;
	v6 =	vmin.u32 v4, $0x63  }
0xb3: {  	v3 =	vadd.s32 v0, v3  }
0xb4: {  	s31 =	simm.s32 $0x490;
	v3 =	vadd.s32 v5, v3  }
0xb5: {  	[tilespmem:s22+$0x70] =	vst v3;
	v3 =	vor.u32 s31, v1  }
0xb6: {  	[tilespmem:s21], [sflag:$0x1] =	stream.indirect.gather [hbm4b:s2+s13], $0x1, s22, s13, $0xb8;
	v5 =	vmulhi.u32 $0xF0F0F0F1, v3;
	[tilespmem:$0x3700] =	vst v63  }
0xb7: {  	v4 =	vmul.u32 $0x3FFDE, v4;
	v6 =	vld.idx.msk [tilespmem:v6+s3+$0x0], $0xffff  }
0xb8: {  	v5 =	vshrl.u32 v5, $0x5  }
0xb9: {  	v2 =	vadd.s32 v2, v4;
	v4 =	vmin.u32 v5, $0x63  }
0xba: {  	v2 =	vshll.u32 v2, $0xE  }
0xbb: {  	v2 =	vadd.s32 v0, v2;
	s22 =	simm.s32 $0x4A0  }
0xbc: {  	s23 =	simm.s32 $0x500;
	v59 =	vor.u32 s22, v1;
	v2 =	vadd.s32 v6, v2  }
0xbd: {  	[tilespmem:s23+$0x0] =	vst v2;
	v2 =	vmulhi.u32 $0xF0F0F0F1, v59  }
0xbe: {  	v5 =	vmul.u32 $0x3FFDE, v5;
	v4 =	vld.idx.msk [tilespmem:v4+s3+$0x0], $0xffff  }
0xbf: {  	v2 =	vshrl.u32 v2, $0x5  }
0xc0: {  	v3 =	vadd.s32 v3, v5;
	v5 =	vmin.u32 v2, $0x63  }
0xc1: {  	v3 =	vshll.u32 v3, $0xE  }
0xc2: {  	s24 =	simm.s32 $0x4B0;
	v3 =	vadd.s32 v0, v3  }
0xc3: {  	v3 =	vadd.s32 v4, v3;
	v4 =	vor.u32 s24, v1  }
0xc4: {  	[tilespmem:s23+$0x10] =	vst v3;
	v3 =	vmulhi.u32 $0xF0F0F0F1, v4  }
0xc5: {  	v2 =	vmul.u32 $0x3FFDE, v2;
	v5 =	vld.idx.msk [tilespmem:v5+s3+$0x0], $0xffff  }
0xc6: {  	v3 =	vshrl.u32 v3, $0x5  }
0xc7: {  	v2 =	vadd.s32 v59, v2;
	v60 =	vmin.u32 v3, $0x63  }
0xc8: {  	v2 =	vshll.u32 v2, $0xE  }
0xc9: {  	s25 =	simm.s32 $0x4C0;
	v2 =	vadd.s32 v0, v2  }
0xca: {  	v2 =	vadd.s32 v5, v2;
	v5 =	vor.u32 s25, v1  }
0xcb: {  	[tilespmem:s23+$0x20] =	vst v2;
	v2 =	vmulhi.u32 $0xF0F0F0F1, v5  }
0xcc: {  	v3 =	vmul.u32 $0x3FFDE, v3;
	v6 =	vld.idx.msk [tilespmem:v60+s3+$0x0], $0xffff  }
0xcd: {  	v2 =	vshrl.u32 v2, $0x5  }
0xce: {  	v3 =	vadd.s32 v4, v3;
	v4 =	vmin.u32 v2, $0x63  }
0xcf: {  	v3 =	vshll.u32 v3, $0xE  }
0xd0: {  	s26 =	simm.s32 $0x4D0;
	v3 =	vadd.s32 v0, v3  }
0xd1: {  	v61 =	vor.u32 s26, v1;
	v3 =	vadd.s32 v6, v3  }
0xd2: {  	[tilespmem:s23+$0x30] =	vst v3;
	v3 =	vmulhi.u32 $0xF0F0F0F1, v61  }
0xd3: {  	v2 =	vmul.u32 $0x3FFDE, v2;
	v4 =	vld.idx.msk [tilespmem:v4+s3+$0x0], $0xffff  }
0xd4: {  	v3 =	vshrl.u32 v3, $0x5  }
0xd5: {  	v2 =	vadd.s32 v5, v2;
	v5 =	vmin.u32 v3, $0x63  }
0xd6: {  	v2 =	vshll.u32 v2, $0xE  }
0xd7: {  	s29 =	simm.s32 $0x4E0;
	v2 =	vadd.s32 v0, v2  }
0xd8: {  	v2 =	vadd.s32 v4, v2;
	v4 =	vor.u32 s29, v1  }
0xd9: {  	[tilespmem:s23+$0x40] =	vst v2;
	v2 =	vmulhi.u32 $0xF0F0F0F1, v4  }
0xda: {  	v3 =	vmul.u32 $0x3FFDE, v3;
	v5 =	vld.idx.msk [tilespmem:v5+s3+$0x0], $0xffff  }
0xdb: {  	v2 =	vshrl.u32 v2, $0x5  }
0xdc: {  	v3 =	vadd.s32 v61, v3;
	v62 =	vmin.u32 v2, $0x63  }
0xdd: {  	v3 =	vshll.u32 v3, $0xE  }
0xde: {  	s30 =	simm.s32 $0x4F0;
	v3 =	vadd.s32 v0, v3  }
0xdf: {  	v3 =	vadd.s32 v5, v3;
	v5 =	vor.u32 s30, v1  }
0xe0: {  	[tilespmem:s23+$0x50] =	vst v3;
	v3 =	vmulhi.u32 $0xF0F0F0F1, v5  }
0xe1: {  	v2 =	vmul.u32 $0x3FFDE, v2;
	v6 =	vld.idx.msk [tilespmem:v62+s3+$0x0], $0xffff  }
0xe2: {  	v3 =	vshrl.u32 v3, $0x5  }
0xe3: {  	v2 =	vadd.s32 v4, v2;
	v4 =	vmin.u32 v3, $0x63  }
0xe4: {  	v2 =	vshll.u32 v2, $0xE  }
0xe5: {  	v2 =	vadd.s32 v0, v2  }
0xe6: {  	v2 =	vadd.s32 v6, v2  }
0xe7: {  	[tilespmem:s23+$0x60] =	vst v2  }
0xe8: {  	s31 =	simm.s32 $0x500;
	v3 =	vmul.u32 $0x3FFDE, v3;
	v4 =	vld.idx.msk [tilespmem:v4+s3+$0x0], $0xffff  }
0xe9: {  	v2 =	vor.u32 s31, v1  }
0xea: {  	v3 =	vadd.s32 v5, v3;
	v63 =	vmulhi.u32 $0xF0F0F0F1, v2  }
0xeb: {  	v3 =	vshll.u32 v3, $0xE  }
0xec: {  	v3 =	vadd.s32 v0, v3;
	v5 =	vshrl.u32 v63, $0x5  }
0xed: {  	v6 =	vmul.u32 $0x3FFDE, v5;
	v4 =	vadd.s32 v4, v3;
	v3 =	vmin.u32 v5, $0x63;
	_ =	sdelay $0x1  }
0xee: {  	s28 =	simm.s32 $0x510;
	s26 =	simm.s32 $0x1280;
	s21 =	simm.s32 $0x1300;
	v2 =	vadd.s32 v2, v6  }
0xef: {  	s22 =	simm.s32 $0x580;
	s24 =	simm.s32 $0x570;
	s25 =	simm.s32 $0x5F0;
	v2 =	vshll.u32 v2, $0xE;
	[tilespmem:s23+$0x70] =	vst v4  }
.LBB2_4:
0xf0: {  	v4 =	vor.u32 s28, v1;
	[tilespmem:s26], [sflag:$0x2] =	stream.indirect.gather [hbm4b:s2+s13], $0x1, s23, s13, $0xb8;
	[tilespmem:$0x3700] =	vst v63  }
0xf1: {  	p0 =	sne.s32 s25, $0x8F0;
	s28 =	smov.u32 s25;
	s25 =	sadd.s32 $0x80, s25;
	v3 =	vld.idx.msk [tilespmem:v3+s3+$0x0], $0xffff;
	v5 =	vmulhi.u32 $0xF0F0F0F1, v4  }
0xf2: {  	s26 =	smov.u32 s21;
	s23 =	smov.u32 s22  }
0xf3: {  	v5 =	vshrl.u32 v5, $0x5  }
0xf4: {  	v6 =	vmul.u32 $0x3FFDE, v5;
	v5 =	vmin.u32 v5, $0x63;
	_ =	sdelay $0x1  }
0xf5: {  	v2 =	vadd.s32 v0, v2;
	v4 =	vadd.s32 v4, v6  }
0xf6: {  	s29 =	sadd.s32 $0xFFFFFFB0, s24;
	v2 =	vadd.s32 v3, v2;
	v3 =	vshll.u32 v4, $0xE  }
0xf7: {  	[tilespmem:s22+$0x0] =	vst v2;
	v2 =	vor.u32 s29, v1  }
0xf8: {  	v4 =	vld.idx.msk [tilespmem:v5+s3+$0x0], $0xffff;
	v5 =	vmulhi.u32 $0xF0F0F0F1, v2;
	_ =	sdelay $0x1  }
0xf9: {  	v5 =	vshrl.u32 v5, $0x5  }
0xfa: {  	v6 =	vmul.u32 $0x3FFDE, v5;
	v5 =	vmin.u32 v5, $0x63;
	_ =	sdelay $0x1  }
0xfb: {  	v3 =	vadd.s32 v0, v3;
	v2 =	vadd.s32 v2, v6  }
0xfc: {  	s29 =	sadd.s32 $0xFFFFFFC0, s24;
	v3 =	vadd.s32 v4, v3;
	v2 =	vshll.u32 v2, $0xE  }
0xfd: {  	[tilespmem:s22+$0x10] =	vst v3;
	v3 =	vor.u32 s29, v1  }
0xfe: {  	v4 =	vld.idx.msk [tilespmem:v5+s3+$0x0], $0xffff;
	v5 =	vmulhi.u32 $0xF0F0F0F1, v3;
	_ =	sdelay $0x1  }
0xff: {  	v5 =	vshrl.u32 v5, $0x5  }
0x100: {  	v6 =	vmul.u32 $0x3FFDE, v5;
	v5 =	vmin.u32 v5, $0x63;
	_ =	sdelay $0x1  }
0x101: {  	v2 =	vadd.s32 v0, v2;
	v3 =	vadd.s32 v3, v6  }
0x102: {  	s29 =	sadd.s32 $0xFFFFFFD0, s24;
	v2 =	vadd.s32 v4, v2;
	v3 =	vshll.u32 v3, $0xE  }
0x103: {  	[tilespmem:s22+$0x20] =	vst v2;
	v2 =	vor.u32 s29, v1  }
0x104: {  	v4 =	vld.idx.msk [tilespmem:v5+s3+$0x0], $0xffff;
	v5 =	vmulhi.u32 $0xF0F0F0F1, v2;
	_ =	sdelay $0x1  }
0x105: {  	v5 =	vshrl.u32 v5, $0x5  }
0x106: {  	v6 =	vmul.u32 $0x3FFDE, v5;
	v5 =	vmin.u32 v5, $0x63;
	_ =	sdelay $0x1  }
0x107: {  	v3 =	vadd.s32 v0, v3;
	v2 =	vadd.s32 v2, v6  }
0x108: {  	s29 =	sadd.s32 $0xFFFFFFE0, s24;
	v3 =	vadd.s32 v4, v3;
	v2 =	vshll.u32 v2, $0xE  }
0x109: {  	[tilespmem:s22+$0x30] =	vst v3;
	v3 =	vor.u32 s29, v1  }
0x10a: {  	v4 =	vld.idx.msk [tilespmem:v5+s3+$0x0], $0xffff;
	v5 =	vmulhi.u32 $0xF0F0F0F1, v3;
	_ =	sdelay $0x1  }
0x10b: {  	v5 =	vshrl.u32 v5, $0x5  }
0x10c: {  	v6 =	vmul.u32 $0x3FFDE, v5;
	v5 =	vmin.u32 v5, $0x63;
	_ =	sdelay $0x1  }
0x10d: {  	v2 =	vadd.s32 v0, v2;
	v3 =	vadd.s32 v3, v6  }
0x10e: {  	s29 =	sadd.s32 $0xFFFFFFF0, s24;
	v2 =	vadd.s32 v4, v2;
	v3 =	vshll.u32 v3, $0xE  }
0x10f: {  	[tilespmem:s22+$0x40] =	vst v2;
	v2 =	vor.u32 s29, v1  }
0x110: {  	v4 =	vld.idx.msk [tilespmem:v5+s3+$0x0], $0xffff;
	v5 =	vmulhi.u32 $0xF0F0F0F1, v2;
	_ =	sdelay $0x1  }
0x111: {  	v5 =	vshrl.u32 v5, $0x5  }
0x112: {  	v6 =	vmul.u32 $0x3FFDE, v5;
	v5 =	vmin.u32 v5, $0x63;
	_ =	sdelay $0x1  }
0x113: {  	v3 =	vadd.s32 v0, v3;
	v2 =	vadd.s32 v2, v6  }
0x114: {  	v3 =	vadd.s32 v4, v3;
	v2 =	vshll.u32 v2, $0xE  }
0x115: {  	[tilespmem:s22+$0x50] =	vst v3;
	v3 =	vor.u32 s24, v1;
	s24 =	smov.u32 s28  }
0x116: {  	v4 =	vld.idx.msk [tilespmem:v5+s3+$0x0], $0xffff;
	v5 =	vmulhi.u32 $0xF0F0F0F1, v3;
	_ =	sdelay $0x1  }
0x117: {  	v5 =	vshrl.u32 v5, $0x5  }
0x118: {  	v6 =	vmul.u32 $0x3FFDE, v5;
	v5 =	vmin.u32 v5, $0x63;
	_ =	sdelay $0x1  }
0x119: {  	v2 =	vadd.s32 v0, v2;
	v3 =	vadd.s32 v3, v6  }
0x11a: {  	v2 =	vadd.s32 v4, v2;
	v4 =	vshll.u32 v3, $0xE  }
0x11b: {  	s28 =	sadd.s32 $0xFFFFFF90, s24;
	[tilespmem:s22+$0x60] =	vst v2  }
0x11c: {  	v2 =	vor.u32 s28, v1;
	v5 =	vld.idx.msk [tilespmem:v5+s3+$0x0], $0xffff  }
0x11d: {  	v3 =	vmulhi.u32 $0xF0F0F0F1, v2;
	_ =	sdelay $0x1  }
.Ltmp1:
0x11e: {  	v3 =	vshrl.u32 v3, $0x5;
	(pc) =	sbr.rel @p0 .LBB2_4-.Ltmp1, $4  }
0x11f: {  	v6 =	vmul.u32 $0x3FFDE, v3;
	v3 =	vmin.u32 v3, $0x63  }
0x120: {  	v4 =	vadd.s32 v0, v4  }
0x121: {  	v2 =	vadd.s32 v2, v6;
	v4 =	vadd.s32 v5, v4  }
0x122: {  	s21 =	sadd.s32 $0x80, s21;
	s28 =	sadd.s32 $0xFFFFFFA0, s24;
	s22 =	sadd.s32 $0x80, s22;
	v2 =	vshll.u32 v2, $0xE;
	[tilespmem:s23+$0x70] =	vst v4  }
0x123: {  	_ =	sdelay $0x1  }
0x124: {  	v4 =	vor.u32 s28, v1  }
0x125: {  	[tilespmem:s26], [sflag:$0x2] =	stream.indirect.gather [hbm4b:s2+s13], $0x1, s23, s13, $0xb8;
	v5 =	vmulhi.u32 $0xF0F0F0F1, v4;
	[tilespmem:$0x3700] =	vst v63  }
0x126: {  	v3 =	vld.idx.msk [tilespmem:v3+s3+$0x0], $0xffff  }
0x127: {  	v5 =	vshrl.u32 v5, $0x5  }
0x128: {  	v6 =	vmin.u32 v5, $0x63;
	_ =	sdelay $0x1  }
0x129: {  	v2 =	vadd.s32 v0, v2;
	s30 =	sadd.s32 $0xFFFFFFB0, s24  }
0x12a: {  	v2 =	vadd.s32 v3, v2;
	v3 =	vor.u32 s30, v1  }
0x12b: {  	[tilespmem:s22+$0x0] =	vst v2;
	v2 =	vmulhi.u32 $0xF0F0F0F1, v3  }
0x12c: {  	v5 =	vmul.u32 $0x3FFDE, v5;
	v6 =	vld.idx.msk [tilespmem:v6+s3+$0x0], $0xffff  }
0x12d: {  	v2 =	vshrl.u32 v2, $0x5  }
0x12e: {  	v4 =	vadd.s32 v4, v5;
	v5 =	vmin.u32 v2, $0x63  }
0x12f: {  	v4 =	vshll.u32 v4, $0xE  }
0x130: {  	s31 =	sadd.s32 $0xFFFFFFC0, s24;
	v4 =	vadd.s32 v0, v4  }
0x131: {  	v54 =	vor.u32 s31, v1;
	v4 =	vadd.s32 v6, v4  }
0x132: {  	[tilespmem:s22+$0x10] =	vst v4;
	v4 =	vmulhi.u32 $0xF0F0F0F1, v54  }
0x133: {  	v2 =	vmul.u32 $0x3FFDE, v2;
	v5 =	vld.idx.msk [tilespmem:v5+s3+$0x0], $0xffff  }
0x134: {  	v4 =	vshrl.u32 v4, $0x5  }
0x135: {  	v2 =	vadd.s32 v3, v2;
	v3 =	vmin.u32 v4, $0x63  }
0x136: {  	v2 =	vshll.u32 v2, $0xE  }
0x137: {  	s25 =	sadd.s32 $0xFFFFFFD0, s24;
	v2 =	vadd.s32 v0, v2  }
0x138: {  	v2 =	vadd.s32 v5, v2;
	v5 =	vor.u32 s25, v1  }
0x139: {  	[tilespmem:s22+$0x20] =	vst v2;
	v2 =	vmulhi.u32 $0xF0F0F0F1, v5  }
0x13a: {  	v4 =	vmul.u32 $0x3FFDE, v4;
	v3 =	vld.idx.msk [tilespmem:v3+s3+$0x0], $0xffff  }
0x13b: {  	v2 =	vshrl.u32 v2, $0x5  }
0x13c: {  	v4 =	vadd.s32 v54, v4;
	v55 =	vmin.u32 v2, $0x63  }
0x13d: {  	v4 =	vshll.u32 v4, $0xE  }
0x13e: {  	s26 =	sadd.s32 $0xFFFFFFE0, s24;
	v4 =	vadd.s32 v0, v4  }
0x13f: {  	v3 =	vadd.s32 v3, v4;
	v4 =	vor.u32 s26, v1  }
0x140: {  	[tilespmem:s22+$0x30] =	vst v3;
	v3 =	vmulhi.u32 $0xF0F0F0F1, v4  }
0x141: {  	v2 =	vmul.u32 $0x3FFDE, v2;
	v6 =	vld.idx.msk [tilespmem:v55+s3+$0x0], $0xffff  }
0x142: {  	v3 =	vshrl.u32 v3, $0x5  }
0x143: {  	v2 =	vadd.s32 v5, v2;
	v5 =	vmin.u32 v3, $0x63  }
0x144: {  	v2 =	vshll.u32 v2, $0xE  }
0x145: {  	s29 =	sadd.s32 $0xFFFFFFF0, s24;
	v2 =	vadd.s32 v0, v2  }
0x146: {  	v56 =	vor.u32 s29, v1;
	v2 =	vadd.s32 v6, v2  }
0x147: {  	[tilespmem:s22+$0x40] =	vst v2;
	v2 =	vmulhi.u32 $0xF0F0F0F1, v56  }
0x148: {  	v3 =	vmul.u32 $0x3FFDE, v3;
	v5 =	vld.idx.msk [tilespmem:v5+s3+$0x0], $0xffff  }
0x149: {  	v2 =	vshrl.u32 v2, $0x5  }
0x14a: {  	v3 =	vadd.s32 v4, v3;
	v4 =	vmin.u32 v2, $0x63  }
0x14b: {  	v3 =	vshll.u32 v3, $0xE  }
0x14c: {  	v3 =	vadd.s32 v0, v3  }
0x14d: {  	v3 =	vadd.s32 v5, v3;
	v5 =	vor.u32 s24, v1  }
0x14e: {  	[tilespmem:s22+$0x50] =	vst v3;
	v3 =	vmulhi.u32 $0xF0F0F0F1, v5  }
0x14f: {  	v2 =	vmul.u32 $0x3FFDE, v2;
	v4 =	vld.idx.msk [tilespmem:v4+s3+$0x0], $0xffff  }
0x150: {  	v3 =	vshrl.u32 v3, $0x5  }
0x151: {  	v2 =	vadd.s32 v56, v2;
	v57 =	vmin.u32 v3, $0x63  }
0x152: {  	v2 =	vshll.u32 v2, $0xE  }
0x153: {  	v2 =	vadd.s32 v0, v2  }
0x154: {  	s30 =	simm.s32 $0x900;
	v2 =	vadd.s32 v4, v2  }
0x155: {  	[tilespmem:s22+$0x60] =	vst v2;
	v2 =	vor.u32 s30, v1  }
0x156: {  	v3 =	vmul.u32 $0x3FFDE, v3;
	v4 =	vld.idx.msk [tilespmem:v57+s3+$0x0], $0xffff;
	v58 =	vmulhi.u32 $0xF0F0F0F1, v2;
	_ =	sdelay $0x1  }
0x157: {  	v3 =	vadd.s32 v5, v3;
	v5 =	vshrl.u32 v58, $0x5  }
0x158: {  	v3 =	vshll.u32 v3, $0xE;
	v6 =	vmin.u32 v5, $0x63  }
0x159: {  	v3 =	vadd.s32 v0, v3  }
0x15a: {  	s31 =	simm.s32 $0x910;
	v3 =	vadd.s32 v4, v3  }
0x15b: {  	[tilespmem:s22+$0x70] =	vst v3;
	v3 =	vor.u32 s31, v1  }
0x15c: {  	[tilespmem:s21], [sflag:$0x2] =	stream.indirect.gather [hbm4b:s2+s13], $0x1, s22, s13, $0xb8;
	v4 =	vmulhi.u32 $0xF0F0F0F1, v3;
	[tilespmem:$0x3700] =	vst v63  }
0x15d: {  	v5 =	vmul.u32 $0x3FFDE, v5;
	v6 =	vld.idx.msk [tilespmem:v6+s3+$0x0], $0xffff  }
0x15e: {  	v4 =	vshrl.u32 v4, $0x5  }
0x15f: {  	v2 =	vadd.s32 v2, v5;
	v5 =	vmin.u32 v4, $0x63  }
0x160: {  	v2 =	vshll.u32 v2, $0xE  }
0x161: {  	v2 =	vadd.s32 v0, v2;
	s22 =	simm.s32 $0x920  }
0x162: {  	s23 =	simm.s32 $0x980;
	v59 =	vor.u32 s22, v1;
	v2 =	vadd.s32 v6, v2  }
0x163: {  	[tilespmem:s23+$0x0] =	vst v2;
	v2 =	vmulhi.u32 $0xF0F0F0F1, v59  }
0x164: {  	v4 =	vmul.u32 $0x3FFDE, v4;
	v5 =	vld.idx.msk [tilespmem:v5+s3+$0x0], $0xffff  }
0x165: {  	v2 =	vshrl.u32 v2, $0x5  }
0x166: {  	v3 =	vadd.s32 v3, v4;
	v4 =	vmin.u32 v2, $0x63  }
0x167: {  	v3 =	vshll.u32 v3, $0xE  }
0x168: {  	s24 =	simm.s32 $0x930;
	v3 =	vadd.s32 v0, v3  }
0x169: {  	v3 =	vadd.s32 v5, v3;
	v5 =	vor.u32 s24, v1  }
0x16a: {  	[tilespmem:s23+$0x10] =	vst v3;
	v3 =	vmulhi.u32 $0xF0F0F0F1, v5  }
0x16b: {  	v2 =	vmul.u32 $0x3FFDE, v2;
	v4 =	vld.idx.msk [tilespmem:v4+s3+$0x0], $0xffff  }
0x16c: {  	v3 =	vshrl.u32 v3, $0x5  }
0x16d: {  	v2 =	vadd.s32 v59, v2;
	v60 =	vmin.u32 v3, $0x63  }
0x16e: {  	v2 =	vshll.u32 v2, $0xE  }
0x16f: {  	s25 =	simm.s32 $0x940;
	v2 =	vadd.s32 v0, v2  }
0x170: {  	v2 =	vadd.s32 v4, v2;
	v4 =	vor.u32 s25, v1  }
0x171: {  	[tilespmem:s23+$0x20] =	vst v2;
	v2 =	vmulhi.u32 $0xF0F0F0F1, v4  }
0x172: {  	v3 =	vmul.u32 $0x3FFDE, v3;
	v6 =	vld.idx.msk [tilespmem:v60+s3+$0x0], $0xffff  }
0x173: {  	v2 =	vshrl.u32 v2, $0x5  }
0x174: {  	v3 =	vadd.s32 v5, v3;
	v5 =	vmin.u32 v2, $0x63  }
0x175: {  	v3 =	vshll.u32 v3, $0xE  }
0x176: {  	s26 =	simm.s32 $0x950;
	v3 =	vadd.s32 v0, v3  }
0x177: {  	v61 =	vor.u32 s26, v1;
	v3 =	vadd.s32 v6, v3  }
0x178: {  	[tilespmem:s23+$0x30] =	vst v3;
	v3 =	vmulhi.u32 $0xF0F0F0F1, v61  }
0x179: {  	v2 =	vmul.u32 $0x3FFDE, v2;
	v5 =	vld.idx.msk [tilespmem:v5+s3+$0x0], $0xffff  }
0x17a: {  	v3 =	vshrl.u32 v3, $0x5  }
0x17b: {  	v2 =	vadd.s32 v4, v2;
	v4 =	vmin.u32 v3, $0x63  }
0x17c: {  	v2 =	vshll.u32 v2, $0xE  }
0x17d: {  	s29 =	simm.s32 $0x960;
	v2 =	vadd.s32 v0, v2  }
0x17e: {  	v2 =	vadd.s32 v5, v2;
	v5 =	vor.u32 s29, v1  }
0x17f: {  	[tilespmem:s23+$0x40] =	vst v2;
	v2 =	vmulhi.u32 $0xF0F0F0F1, v5  }
0x180: {  	v3 =	vmul.u32 $0x3FFDE, v3;
	v4 =	vld.idx.msk [tilespmem:v4+s3+$0x0], $0xffff  }
0x181: {  	v2 =	vshrl.u32 v2, $0x5  }
0x182: {  	v3 =	vadd.s32 v61, v3;
	v62 =	vmin.u32 v2, $0x63  }
0x183: {  	v3 =	vshll.u32 v3, $0xE  }
0x184: {  	s30 =	simm.s32 $0x970;
	v3 =	vadd.s32 v0, v3  }
0x185: {  	v3 =	vadd.s32 v4, v3;
	v4 =	vor.u32 s30, v1  }
0x186: {  	[tilespmem:s23+$0x50] =	vst v3;
	v3 =	vmulhi.u32 $0xF0F0F0F1, v4  }
0x187: {  	v2 =	vmul.u32 $0x3FFDE, v2;
	v6 =	vld.idx.msk [tilespmem:v62+s3+$0x0], $0xffff  }
0x188: {  	v3 =	vshrl.u32 v3, $0x5  }
0x189: {  	v2 =	vadd.s32 v5, v2;
	v5 =	vmin.u32 v3, $0x63  }
0x18a: {  	v2 =	vshll.u32 v2, $0xE  }
0x18b: {  	v2 =	vadd.s32 v0, v2  }
0x18c: {  	v2 =	vadd.s32 v6, v2  }
0x18d: {  	[tilespmem:s23+$0x60] =	vst v2  }
0x18e: {  	s31 =	simm.s32 $0x980;
	v3 =	vmul.u32 $0x3FFDE, v3;
	v5 =	vld.idx.msk [tilespmem:v5+s3+$0x0], $0xffff  }
0x18f: {  	v2 =	vor.u32 s31, v1  }
0x190: {  	v3 =	vadd.s32 v4, v3;
	v63 =	vmulhi.u32 $0xF0F0F0F1, v2  }
0x191: {  	v3 =	vshll.u32 v3, $0xE  }
0x192: {  	v3 =	vadd.s32 v0, v3;
	v4 =	vshrl.u32 v63, $0x5  }
0x193: {  	v6 =	vmul.u32 $0x3FFDE, v4;
	v5 =	vadd.s32 v5, v3;
	v3 =	vmin.u32 v4, $0x63;
	_ =	sdelay $0x1  }
0x194: {  	s28 =	simm.s32 $0x990;
	s26 =	simm.s32 $0x1700;
	s21 =	simm.s32 $0x1780;
	v2 =	vadd.s32 v2, v6  }
0x195: {  	s22 =	simm.s32 $0xA00;
	s24 =	simm.s32 $0x9F0;
	s25 =	simm.s32 $0xA70;
	v2 =	vshll.u32 v2, $0xE;
	[tilespmem:s23+$0x70] =	vst v5  }
.LBB2_6:
0x196: {  	v4 =	vor.u32 s28, v1;
	[tilespmem:s26], [sflag:$0x3] =	stream.indirect.gather [hbm4b:s2+s13], $0x1, s23, s13, $0xb8;
	[tilespmem:$0x3700] =	vst v63  }
0x197: {  	p0 =	sne.s32 s25, $0xD70;
	s28 =	smov.u32 s25;
	s25 =	sadd.s32 $0x80, s25;
	v3 =	vld.idx.msk [tilespmem:v3+s3+$0x0], $0xffff;
	v5 =	vmulhi.u32 $0xF0F0F0F1, v4  }
0x198: {  	s26 =	smov.u32 s21;
	s23 =	smov.u32 s22  }
0x199: {  	v5 =	vshrl.u32 v5, $0x5  }
0x19a: {  	v6 =	vmul.u32 $0x3FFDE, v5;
	v5 =	vmin.u32 v5, $0x63;
	_ =	sdelay $0x1  }
0x19b: {  	v2 =	vadd.s32 v0, v2;
	v4 =	vadd.s32 v4, v6  }
0x19c: {  	s29 =	sadd.s32 $0xFFFFFFB0, s24;
	v2 =	vadd.s32 v3, v2;
	v3 =	vshll.u32 v4, $0xE  }
0x19d: {  	[tilespmem:s22+$0x0] =	vst v2;
	v2 =	vor.u32 s29, v1  }
0x19e: {  	v4 =	vld.idx.msk [tilespmem:v5+s3+$0x0], $0xffff;
	v5 =	vmulhi.u32 $0xF0F0F0F1, v2;
	_ =	sdelay $0x1  }
0x19f: {  	v5 =	vshrl.u32 v5, $0x5  }
0x1a0: {  	v6 =	vmul.u32 $0x3FFDE, v5;
	v5 =	vmin.u32 v5, $0x63;
	_ =	sdelay $0x1  }
0x1a1: {  	v3 =	vadd.s32 v0, v3;
	v2 =	vadd.s32 v2, v6  }
0x1a2: {  	s29 =	sadd.s32 $0xFFFFFFC0, s24;
	v3 =	vadd.s32 v4, v3;
	v2 =	vshll.u32 v2, $0xE  }
0x1a3: {  	[tilespmem:s22+$0x10] =	vst v3;
	v3 =	vor.u32 s29, v1  }
0x1a4: {  	v4 =	vld.idx.msk [tilespmem:v5+s3+$0x0], $0xffff;
	v5 =	vmulhi.u32 $0xF0F0F0F1, v3;
	_ =	sdelay $0x1  }
0x1a5: {  	v5 =	vshrl.u32 v5, $0x5  }
0x1a6: {  	v6 =	vmul.u32 $0x3FFDE, v5;
	v5 =	vmin.u32 v5, $0x63;
	_ =	sdelay $0x1  }
0x1a7: {  	v2 =	vadd.s32 v0, v2;
	v3 =	vadd.s32 v3, v6  }
0x1a8: {  	s29 =	sadd.s32 $0xFFFFFFD0, s24;
	v2 =	vadd.s32 v4, v2;
	v3 =	vshll.u32 v3, $0xE  }
0x1a9: {  	[tilespmem:s22+$0x20] =	vst v2;
	v2 =	vor.u32 s29, v1  }
0x1aa: {  	v4 =	vld.idx.msk [tilespmem:v5+s3+$0x0], $0xffff;
	v5 =	vmulhi.u32 $0xF0F0F0F1, v2;
	_ =	sdelay $0x1  }
0x1ab: {  	v5 =	vshrl.u32 v5, $0x5  }
0x1ac: {  	v6 =	vmul.u32 $0x3FFDE, v5;
	v5 =	vmin.u32 v5, $0x63;
	_ =	sdelay $0x1  }
0x1ad: {  	v3 =	vadd.s32 v0, v3;
	v2 =	vadd.s32 v2, v6  }
0x1ae: {  	s29 =	sadd.s32 $0xFFFFFFE0, s24;
	v3 =	vadd.s32 v4, v3;
	v2 =	vshll.u32 v2, $0xE  }
0x1af: {  	[tilespmem:s22+$0x30] =	vst v3;
	v3 =	vor.u32 s29, v1  }
0x1b0: {  	v4 =	vld.idx.msk [tilespmem:v5+s3+$0x0], $0xffff;
	v5 =	vmulhi.u32 $0xF0F0F0F1, v3;
	_ =	sdelay $0x1  }
0x1b1: {  	v5 =	vshrl.u32 v5, $0x5  }
0x1b2: {  	v6 =	vmul.u32 $0x3FFDE, v5;
	v5 =	vmin.u32 v5, $0x63;
	_ =	sdelay $0x1  }
0x1b3: {  	v2 =	vadd.s32 v0, v2;
	v3 =	vadd.s32 v3, v6  }
0x1b4: {  	s29 =	sadd.s32 $0xFFFFFFF0, s24;
	v2 =	vadd.s32 v4, v2;
	v3 =	vshll.u32 v3, $0xE  }
0x1b5: {  	[tilespmem:s22+$0x40] =	vst v2;
	v2 =	vor.u32 s29, v1  }
0x1b6: {  	v4 =	vld.idx.msk [tilespmem:v5+s3+$0x0], $0xffff;
	v5 =	vmulhi.u32 $0xF0F0F0F1, v2;
	_ =	sdelay $0x1  }
0x1b7: {  	v5 =	vshrl.u32 v5, $0x5  }
0x1b8: {  	v6 =	vmul.u32 $0x3FFDE, v5;
	v5 =	vmin.u32 v5, $0x63;
	_ =	sdelay $0x1  }
0x1b9: {  	v3 =	vadd.s32 v0, v3;
	v2 =	vadd.s32 v2, v6  }
0x1ba: {  	v3 =	vadd.s32 v4, v3;
	v2 =	vshll.u32 v2, $0xE  }
0x1bb: {  	[tilespmem:s22+$0x50] =	vst v3;
	v3 =	vor.u32 s24, v1;
	s24 =	smov.u32 s28  }
0x1bc: {  	v4 =	vld.idx.msk [tilespmem:v5+s3+$0x0], $0xffff;
	v5 =	vmulhi.u32 $0xF0F0F0F1, v3;
	_ =	sdelay $0x1  }
0x1bd: {  	v5 =	vshrl.u32 v5, $0x5  }
0x1be: {  	v6 =	vmul.u32 $0x3FFDE, v5;
	v5 =	vmin.u32 v5, $0x63;
	_ =	sdelay $0x1  }
0x1bf: {  	v2 =	vadd.s32 v0, v2;
	v3 =	vadd.s32 v3, v6  }
0x1c0: {  	v2 =	vadd.s32 v4, v2;
	v4 =	vshll.u32 v3, $0xE  }
0x1c1: {  	s28 =	sadd.s32 $0xFFFFFF90, s24;
	[tilespmem:s22+$0x60] =	vst v2  }
0x1c2: {  	v2 =	vor.u32 s28, v1;
	v5 =	vld.idx.msk [tilespmem:v5+s3+$0x0], $0xffff  }
0x1c3: {  	v3 =	vmulhi.u32 $0xF0F0F0F1, v2;
	_ =	sdelay $0x1  }
.Ltmp2:
0x1c4: {  	v3 =	vshrl.u32 v3, $0x5;
	(pc) =	sbr.rel @p0 .LBB2_6-.Ltmp2, $4  }
0x1c5: {  	v6 =	vmul.u32 $0x3FFDE, v3;
	v3 =	vmin.u32 v3, $0x63  }
0x1c6: {  	v4 =	vadd.s32 v0, v4  }
0x1c7: {  	v2 =	vadd.s32 v2, v6;
	v4 =	vadd.s32 v5, v4  }
0x1c8: {  	s21 =	sadd.s32 $0x80, s21;
	s28 =	sadd.s32 $0xFFFFFFA0, s24;
	s22 =	sadd.s32 $0x80, s22;
	v2 =	vshll.u32 v2, $0xE;
	[tilespmem:s23+$0x70] =	vst v4  }
0x1c9: {  	_ =	sdelay $0x1  }
0x1ca: {  	v4 =	vor.u32 s28, v1  }
0x1cb: {  	[tilespmem:s26], [sflag:$0x3] =	stream.indirect.gather [hbm4b:s2+s13], $0x1, s23, s13, $0xb8;
	v5 =	vmulhi.u32 $0xF0F0F0F1, v4;
	[tilespmem:$0x3700] =	vst v63  }
0x1cc: {  	v3 =	vld.idx.msk [tilespmem:v3+s3+$0x0], $0xffff  }
0x1cd: {  	v5 =	vshrl.u32 v5, $0x5  }
0x1ce: {  	v6 =	vmin.u32 v5, $0x63;
	_ =	sdelay $0x1  }
0x1cf: {  	v2 =	vadd.s32 v0, v2;
	s25 =	sadd.s32 $0xFFFFFFB0, s24  }
0x1d0: {  	v2 =	vadd.s32 v3, v2;
	v3 =	vor.u32 s25, v1  }
0x1d1: {  	[tilespmem:s22+$0x0] =	vst v2;
	v2 =	vmulhi.u32 $0xF0F0F0F1, v3  }
0x1d2: {  	v5 =	vmul.u32 $0x3FFDE, v5;
	v6 =	vld.idx.msk [tilespmem:v6+s3+$0x0], $0xffff  }
0x1d3: {  	v2 =	vshrl.u32 v2, $0x5  }
0x1d4: {  	v4 =	vadd.s32 v4, v5;
	v5 =	vmin.u32 v2, $0x63  }
0x1d5: {  	v4 =	vshll.u32 v4, $0xE  }
0x1d6: {  	s26 =	sadd.s32 $0xFFFFFFC0, s24;
	v4 =	vadd.s32 v0, v4  }
0x1d7: {  	v4 =	vadd.s32 v6, v4;
	v6 =	vor.u32 s26, v1  }
0x1d8: {  	[tilespmem:s22+$0x10] =	vst v4;
	v4 =	vmulhi.u32 $0xF0F0F0F1, v6  }
0x1d9: {  	v2 =	vmul.u32 $0x3FFDE, v2;
	v5 =	vld.idx.msk [tilespmem:v5+s3+$0x0], $0xffff  }
0x1da: {  	v4 =	vshrl.u32 v4, $0x5  }
0x1db: {  	v2 =	vadd.s32 v3, v2;
	v3 =	vmin.u32 v4, $0x63  }
0x1dc: {  	v2 =	vshll.u32 v2, $0xE  }
0x1dd: {  	s28 =	sadd.s32 $0xFFFFFFD0, s24;
	v2 =	vadd.s32 v0, v2  }
0x1de: {  	v2 =	vadd.s32 v5, v2;
	v5 =	vor.u32 s28, v1  }
0x1df: {  	[tilespmem:s22+$0x20] =	vst v2;
	v2 =	vmulhi.u32 $0xF0F0F0F1, v5  }
0x1e0: {  	v4 =	vmul.u32 $0x3FFDE, v4;
	v3 =	vld.idx.msk [tilespmem:v3+s3+$0x0], $0xffff  }
0x1e1: {  	v2 =	vshrl.u32 v2, $0x5  }
0x1e2: {  	v4 =	vadd.s32 v6, v4;
	v6 =	vmin.u32 v2, $0x63  }
0x1e3: {  	v4 =	vshll.u32 v4, $0xE  }
0x1e4: {  	s29 =	sadd.s32 $0xFFFFFFE0, s24;
	v4 =	vadd.s32 v0, v4  }
0x1e5: {  	v3 =	vadd.s32 v3, v4;
	v4 =	vor.u32 s29, v1  }
0x1e6: {  	[tilespmem:s22+$0x30] =	vst v3;
	v3 =	vmulhi.u32 $0xF0F0F0F1, v4  }
0x1e7: {  	v2 =	vmul.u32 $0x3FFDE, v2;
	v6 =	vld.idx.msk [tilespmem:v6+s3+$0x0], $0xffff  }
0x1e8: {  	v3 =	vshrl.u32 v3, $0x5  }
0x1e9: {  	v2 =	vadd.s32 v5, v2;
	v5 =	vmin.u32 v3, $0x63  }
0x1ea: {  	v2 =	vshll.u32 v2, $0xE  }
0x1eb: {  	s30 =	sadd.s32 $0xFFFFFFF0, s24;
	v2 =	vadd.s32 v0, v2  }
0x1ec: {  	v2 =	vadd.s32 v6, v2;
	v6 =	vor.u32 s30, v1  }
0x1ed: {  	[tilespmem:s22+$0x40] =	vst v2;
	v2 =	vmulhi.u32 $0xF0F0F0F1, v6  }
0x1ee: {  	v3 =	vmul.u32 $0x3FFDE, v3;
	v5 =	vld.idx.msk [tilespmem:v5+s3+$0x0], $0xffff  }
0x1ef: {  	v2 =	vshrl.u32 v2, $0x5  }
0x1f0: {  	v3 =	vadd.s32 v4, v3;
	v4 =	vmin.u32 v2, $0x63  }
0x1f1: {  	v3 =	vshll.u32 v3, $0xE  }
0x1f2: {  	v3 =	vadd.s32 v0, v3  }
0x1f3: {  	v3 =	vadd.s32 v5, v3;
	v5 =	vor.u32 s24, v1  }
0x1f4: {  	[tilespmem:s22+$0x50] =	vst v3;
	v3 =	vmulhi.u32 $0xF0F0F0F1, v5  }
0x1f5: {  	v2 =	vmul.u32 $0x3FFDE, v2;
	v4 =	vld.idx.msk [tilespmem:v4+s3+$0x0], $0xffff  }
0x1f6: {  	v3 =	vshrl.u32 v3, $0x5  }
0x1f7: {  	v2 =	vadd.s32 v6, v2;
	v6 =	vmin.u32 v3, $0x63  }
0x1f8: {  	v2 =	vshll.u32 v2, $0xE  }
0x1f9: {  	v2 =	vadd.s32 v0, v2  }
0x1fa: {  	v2 =	vadd.s32 v4, v2  }
0x1fb: {  	[tilespmem:s22+$0x60] =	vst v2  }
0x1fc: {  	v2 =	vmul.u32 $0x3FFDE, v3;
	v3 =	vld.idx.msk [tilespmem:v6+s3+$0x0], $0xffff;
	_ =	sdelay $0x1  }
0x1fd: {  	v2 =	vadd.s32 v5, v2  }
0x1fe: {  	v2 =	vshll.u32 v2, $0xE  }
0x1ff: {  	v2 =	vadd.s32 v0, v2  }
0x200: {  	v2 =	vadd.s32 v3, v2  }
0x201: {  	[tilespmem:s22+$0x70] =	vst v2  }
0x202: {  	[tilespmem:s21], [sflag:$0x3] =	stream.indirect.gather [hbm4b:s2+s13], $0x1, s22, s13, $0xb8;
	[tilespmem:$0x3700] =	vst v63  }
0x203: {  	_ =	swait.ge [sflag:s14], $0xD80  }
0x204: {  	[sflag:s14] =	ssyncset.done $0x0  }
0x205: {  	[sflag:s14] =	ssyncadd.s32 $0xFFFFF280  }
0x206: {  	_ =	swait.ge [sflag:s14], $0xD80  }
0x207: {  	[sflag:s14] =	ssyncset.done $0x0  }
0x208: {  	[sflag:s14] =	ssyncadd.s32 $0xFFFFF280  }
0x209: {  	_ =	swait.ge [sflag:s15], $0x480  }
0x20a: {  	[sflag:s15] =	ssyncset.done $0x0  }
0x20b: {  	s31 =	simm.s32 $0xE20;
	[sflag:s15] =	ssyncadd.s32 $0xFFFFFB80  }
0x20c: {  	v6 =	vld [tilespmem:s31+$0x10]  }
0x20d: {  	v4 =	vld [tilespmem:s31+$0x0]  }
0x20e: {  	s21 =	simm.s32 $0x1BA0;
	v2 =	vld [tilespmem:s31+$0xFFFFFFE0]  }
0x20f: {  	v3 =	vld [tilespmem:s21+$0xFFFFFFE0]  }
0x210: {  	v5 =	vld [tilespmem:s31+$0xFFFFFFF0]  }
0x211: {  	s22 =	simm.s32 $0x2920;
	v13 =	vld [tilespmem:s21+$0xFFFFFFF0]  }
0x212: {  	v9 =	vld [tilespmem:s22+$0xFFFFFFE0]  }
0x213: {  	v11 =	vld [tilespmem:s21+$0x0]  }
0x214: {  	v8 =	vld [tilespmem:s22+$0xFFFFFFF0];
	v2 =	vsub.f32 v2, v3  }
0x215: {  	v10 =	vld [tilespmem:s21+$0x10]  }
0x216: {  	v7 =	vld [tilespmem:s22+$0x0];
	v15 =	vsub.f32 v5, v13;
	v2 =	vand.u32 $0x7FFFFFFF, v2  }
0x217: {  	v12 =	vimm.f32 $0.0e+00;
	s23 =	simm.s32 $0x0;
	s24 =	simm.s32 $0xE60;
	v5 =	vld [tilespmem:s22+$0x10];
	v13 =	vimm.f32 $0.0e+00;
	v14 =	vmul.f32 v2, v9  }
.LBB2_8:
0x218: {  	v2 =	vld [tilespmem:s24+$0x10];
	v3 =	vand.u32 $0x7FFFFFFF, v15;
	v11 =	vsub.f32 v4, v11  }
0x219: {  	v9 =	vadd.f32 v9, v13;
	v4 =	vld [tilespmem:s24+$0x0];
	v12 =	vadd.f32 v14, v12;
	v3 =	vmul.f32 v3, v8  }
0x21a: {  	s21 =	sadd.s32 $0x40, s21;
	v14 =	vld [tilespmem:s24+$0xFFFFFFE0];
	v11 =	vand.u32 $0x7FFFFFFF, v11;
	v13 =	vsub.f32 v6, v10  }
0x21b: {  	s23 =	sadd.s32 $0x4, s23;
	v8 =	vadd.f32 v8, v9;
	v10 =	vld [tilespmem:s21+$0xFFFFFFE0];
	v3 =	vadd.f32 v3, v12;
	v9 =	vmul.f32 v11, v7  }
0x21c: {  	p0 =	slt.u32 s23, $0x44;
	v15 =	vld [tilespmem:s24+$0xFFFFFFF0];
	v11 =	vand.u32 $0x7FFFFFFF, v13  }
0x21d: {  	s22 =	sadd.s32 $0x40, s22;
	v7 =	vadd.f32 v7, v8;
	v16 =	vld [tilespmem:s21+$0xFFFFFFF0];
	v3 =	vadd.f32 v9, v3;
	v8 =	vmul.f32 v11, v5;
	v6 =	vmovc v2  }
0x21e: {  	v9 =	vld [tilespmem:s22+$0xFFFFFFE0]  }
.Ltmp3:
0x21f: {  	v13 =	vadd.f32 v5, v7;
	v11 =	vld [tilespmem:s21+$0x0];
	v12 =	vadd.f32 v8, v3;
	(pc) =	sbr.rel @p0 .LBB2_8-.Ltmp3, $4  }
0x220: {  	v2 =	vsub.f32 v14, v10;
	v8 =	vld [tilespmem:s22+$0xFFFFFFF0]  }
0x221: {  	v10 =	vld [tilespmem:s21+$0x10]  }
0x222: {  	v2 =	vand.u32 $0x7FFFFFFF, v2;
	v15 =	vsub.f32 v15, v16;
	v7 =	vld [tilespmem:s22+$0x0]  }
0x223: {  	s24 =	sadd.s32 $0x40, s24;
	v14 =	vmul.f32 v2, v9;
	v5 =	vld [tilespmem:s22+$0x10]  }
0x224: {  	_ =	swait.ge [sflag:s16], $0x480  }
0x225: {  	[sflag:s16] =	ssyncset.done $0x0  }
0x226: {  	s22 =	simm.s32 $0x12B0;
	[sflag:s16] =	ssyncadd.s32 $0xFFFFFB80  }
0x227: {  	v3 =	vld [tilespmem:s22+$0x0]  }
0x228: {  	v2 =	vld [tilespmem:s22+$0xFFFFFFF0]  }
0x229: {  	s21 =	simm.s32 $0x2030;
	v16 =	vld [tilespmem:s22+$0xFFFFFFD0]  }
0x22a: {  	v15 =	vand.u32 $0x7FFFFFFF, v15;
	v4 =	vsub.f32 v4, v11;
	v17 =	vld [tilespmem:s21+$0xFFFFFFD0]  }
0x22b: {  	v11 =	vadd.f32 v14, v12;
	v12 =	vmul.f32 v15, v8;
	v14 =	vld [tilespmem:s22+$0xFFFFFFE0]  }
0x22c: {  	v13 =	vadd.f32 v9, v13;
	v4 =	vand.u32 $0x7FFFFFFF, v4;
	v6 =	vsub.f32 v6, v10;
	s22 =	simm.s32 $0x2DB0;
	v15 =	vld [tilespmem:s21+$0xFFFFFFE0]  }
0x22d: {  	v10 =	vadd.f32 v12, v11;
	v4 =	vmul.f32 v4, v7;
	v9 =	vld [tilespmem:s22+$0xFFFFFFD0]  }
0x22e: {  	v12 =	vadd.f32 v8, v13;
	v11 =	vld [tilespmem:s21+$0xFFFFFFF0];
	v6 =	vand.u32 $0x7FFFFFFF, v6  }
0x22f: {  	v8 =	vld [tilespmem:s22+$0xFFFFFFE0];
	v4 =	vadd.f32 v4, v10;
	v6 =	vmul.f32 v6, v5;
	v13 =	vsub.f32 v16, v17  }
0x230: {  	v10 =	vld [tilespmem:s21+$0x0];
	v16 =	vadd.f32 v7, v12  }
0x231: {  	v12 =	vadd.f32 v6, v4;
	v7 =	vld [tilespmem:s22+$0xFFFFFFF0];
	v15 =	vsub.f32 v14, v15;
	v4 =	vand.u32 $0x7FFFFFFF, v13  }
0x232: {  	s23 =	simm.s32 $0x48;
	s24 =	simm.s32 $0x12F0;
	v6 =	vld [tilespmem:s22+$0x0];
	v13 =	vadd.f32 v5, v16;
	v14 =	vmul.f32 v4, v9  }
.LBB2_10:
0x233: {  	v4 =	vld [tilespmem:s24+$0x0];
	v5 =	vand.u32 $0x7FFFFFFF, v15;
	v11 =	vsub.f32 v2, v11  }
0x234: {  	v9 =	vadd.f32 v9, v13;
	v2 =	vld [tilespmem:s24+$0xFFFFFFF0];
	v12 =	vadd.f32 v14, v12;
	v5 =	vmul.f32 v5, v8  }
0x235: {  	s21 =	sadd.s32 $0x40, s21;
	v14 =	vld [tilespmem:s24+$0xFFFFFFD0];
	v11 =	vand.u32 $0x7FFFFFFF, v11;
	v13 =	vsub.f32 v3, v10  }
0x236: {  	s23 =	sadd.s32 $0x4, s23;
	v8 =	vadd.f32 v8, v9;
	v10 =	vld [tilespmem:s21+$0xFFFFFFD0];
	v5 =	vadd.f32 v5, v12;
	v9 =	vmul.f32 v11, v7  }
0x237: {  	p0 =	slt.u32 s23, $0x8C;
	v15 =	vld [tilespmem:s24+$0xFFFFFFE0];
	v11 =	vand.u32 $0x7FFFFFFF, v13  }
0x238: {  	s22 =	sadd.s32 $0x40, s22;
	v7 =	vadd.f32 v7, v8;
	v16 =	vld [tilespmem:s21+$0xFFFFFFE0];
	v5 =	vadd.f32 v9, v5;
	v8 =	vmul.f32 v11, v6;
	v3 =	vmovc v4  }
0x239: {  	v9 =	vld [tilespmem:s22+$0xFFFFFFD0]  }
.Ltmp4:
0x23a: {  	v13 =	vadd.f32 v6, v7;
	v11 =	vld [tilespmem:s21+$0xFFFFFFF0];
	v12 =	vadd.f32 v8, v5;
	(pc) =	sbr.rel @p0 .LBB2_10-.Ltmp4, $4  }
0x23b: {  	v4 =	vsub.f32 v14, v10;
	v8 =	vld [tilespmem:s22+$0xFFFFFFE0]  }
0x23c: {  	v10 =	vld [tilespmem:s21+$0x0]  }
0x23d: {  	v4 =	vand.u32 $0x7FFFFFFF, v4;
	v15 =	vsub.f32 v15, v16;
	v7 =	vld [tilespmem:s22+$0xFFFFFFF0]  }
0x23e: {  	s24 =	sadd.s32 $0x40, s24;
	v14 =	vmul.f32 v4, v9;
	v6 =	vld [tilespmem:s22+$0x0]  }
0x23f: {  	_ =	swait.ge [sflag:s17], $0x480  }
0x240: {  	[sflag:s17] =	ssyncset.done $0x0  }
0x241: {  	s22 =	simm.s32 $0x1730;
	[sflag:s17] =	ssyncadd.s32 $0xFFFFFB80  }
0x242: {  	v5 =	vld [tilespmem:s22+$0x0]  }
0x243: {  	v4 =	vld [tilespmem:s22+$0xFFFFFFF0]  }
0x244: {  	s21 =	simm.s32 $0x24B0;
	v16 =	vld [tilespmem:s22+$0xFFFFFFD0]  }
0x245: {  	v15 =	vand.u32 $0x7FFFFFFF, v15;
	v2 =	vsub.f32 v2, v11;
	v13 =	vadd.f32 v9, v13;
	v11 =	vld [tilespmem:s21+$0xFFFFFFD0]  }
0x246: {  	v12 =	vadd.f32 v14, v12;
	v14 =	vmul.f32 v15, v8;
	v15 =	vld [tilespmem:s22+$0xFFFFFFE0]  }
0x247: {  	v2 =	vand.u32 $0x7FFFFFFF, v2;
	v3 =	vsub.f32 v3, v10;
	v13 =	vadd.f32 v8, v13;
	s22 =	simm.s32 $0x3230;
	v17 =	vld [tilespmem:s21+$0xFFFFFFE0]  }
0x248: {  	v12 =	vadd.f32 v14, v12;
	v2 =	vmul.f32 v2, v7;
	v9 =	vld [tilespmem:s22+$0xFFFFFFD0]  }
0x249: {  	v10 =	vld [tilespmem:s21+$0xFFFFFFF0];
	v3 =	vand.u32 $0x7FFFFFFF, v3;
	v13 =	vadd.f32 v7, v13  }
0x24a: {  	v8 =	vld [tilespmem:s22+$0xFFFFFFE0];
	v2 =	vadd.f32 v2, v12;
	v3 =	vmul.f32 v3, v6;
	v12 =	vsub.f32 v16, v11  }
0x24b: {  	v7 =	vld [tilespmem:s21+$0x0];
	v6 =	vadd.f32 v6, v13  }
0x24c: {  	v11 =	vadd.f32 v3, v2;
	v3 =	vld [tilespmem:s22+$0xFFFFFFF0];
	v13 =	vsub.f32 v15, v17;
	v2 =	vand.u32 $0x7FFFFFFF, v12  }
0x24d: {  	s23 =	simm.s32 $0x90;
	s24 =	simm.s32 $0x1770;
	v12 =	vmul.f32 v2, v9;
	v2 =	vld [tilespmem:s22+$0x0]  }
.LBB2_12:
0x24e: {  	v14 =	vld [tilespmem:s24+$0x0];
	v13 =	vand.u32 $0x7FFFFFFF, v13;
	v10 =	vsub.f32 v4, v10  }
0x24f: {  	v6 =	vadd.f32 v9, v6;
	v4 =	vld [tilespmem:s24+$0xFFFFFFF0];
	v11 =	vadd.f32 v12, v11;
	v9 =	vmul.f32 v13, v8  }
0x250: {  	s21 =	sadd.s32 $0x40, s21;
	v12 =	vld [tilespmem:s24+$0xFFFFFFD0];
	v10 =	vand.u32 $0x7FFFFFFF, v10;
	v16 =	vsub.f32 v5, v7  }
0x251: {  	s23 =	sadd.s32 $0x4, s23;
	v6 =	vadd.f32 v8, v6;
	v7 =	vld [tilespmem:s21+$0xFFFFFFD0];
	v9 =	vadd.f32 v9, v11;
	v8 =	vmul.f32 v10, v3  }
0x252: {  	p0 =	slt.u32 s23, $0xD4;
	v13 =	vld [tilespmem:s24+$0xFFFFFFE0];
	v10 =	vand.u32 $0x7FFFFFFF, v16  }
0x253: {  	s22 =	sadd.s32 $0x40, s22;
	v3 =	vadd.f32 v3, v6;
	v15 =	vld [tilespmem:s21+$0xFFFFFFE0];
	v8 =	vadd.f32 v8, v9;
	v6 =	vmul.f32 v10, v2;
	v5 =	vmovc v14  }
0x254: {  	v9 =	vld [tilespmem:s22+$0xFFFFFFD0]  }
.Ltmp5:
0x255: {  	v10 =	vld [tilespmem:s21+$0xFFFFFFF0];
	v11 =	vadd.f32 v6, v8;
	v6 =	vadd.f32 v2, v3;
	(pc) =	sbr.rel @p0 .LBB2_12-.Ltmp5, $4  }
0x256: {  	v2 =	vsub.f32 v12, v7;
	v8 =	vld [tilespmem:s22+$0xFFFFFFE0]  }
0x257: {  	v7 =	vld [tilespmem:s21+$0x0]  }
0x258: {  	v2 =	vand.u32 $0x7FFFFFFF, v2;
	v13 =	vsub.f32 v13, v15;
	v3 =	vld [tilespmem:s22+$0xFFFFFFF0]  }
0x259: {  	s24 =	sadd.s32 $0x40, s24;
	v12 =	vmul.f32 v2, v9;
	v2 =	vld [tilespmem:s22+$0x0]  }
0x25a: {  	v13 =	vand.u32 $0x7FFFFFFF, v13;
	v4 =	vsub.f32 v4, v10;
	v6 =	vadd.f32 v9, v6  }
0x25b: {  	v61 =	vadd.f32 v12, v11;
	v62 =	vmul.f32 v13, v8  }
0x25c: {  	v4 =	vand.u32 $0x7FFFFFFF, v4;
	v5 =	vsub.f32 v5, v7;
	v6 =	vadd.f32 v8, v6  }
0x25d: {  	v63 =	vadd.f32 v62, v61;
	v4 =	vmul.f32 v4, v3  }
0x25e: {  	v5 =	vand.u32 $0x7FFFFFFF, v5;
	v3 =	vadd.f32 v3, v6  }
0x25f: {  	v4 =	vadd.f32 v4, v63;
	v5 =	vmul.f32 v5, v2  }
0x260: {  	v2 =	vadd.f32 v2, v3  }
0x261: {  	s20 =	sadd.s32 $0x1, s20;
	v4 =	vadd.f32 v5, v4  }
0x262: {  	p0 =	sne.s32 s20, s8;
	[tilespmem:$0x3690] =	vst v2  }
.Ltmp6:
0x263: {  	[tilespmem:$0x3680] =	vst v4;
	(pc) =	sbr.rel @p0 .LBB2_1-.Ltmp6, $4  }
0x264: {  	[hbm4b:s7+s3] =	stream.linear.scatter [tilespmem:s18], [sflag:$0x6], $0x80, $0x38;
	[tilespmem:$0x3700] =	vst v63  }
0x265: {  	_ =	swait.ge [sflag:s19], $0x80  }
0x266: {  	[sflag:s19] =	ssyncset.done $0x0  }
0x267: {  	[sflag:s19] =	ssyncadd.s32 $0xFFFFFF80  }
0x268: {  	_ =	sfence.sel $0x180000  }
0x269: {  	[bflag:$0x0] =	sbarrier.arrive $0xFFFF  }
0x26a: {  	p0 =	sne.s32 s0, $0x0;
	_ =	strace $0x90000047  }
0x26b: {  	s0 =	sadd.s32 @!p0 $0x100000, s1;
	[bflag:$0x2] =	sbarrier.arrive $0xFFFF  }
0x26c: {  	[sflag:s0] =	ssyncadd.tile.s32 @!p0 $0x1;
	_ =	shalt  }
.Lfunc_end2:
_tile_overlayer_lowered:
.L_overlay_start_2:
0x26d: {  	(tag) =	ssettag $0x2  }
0x26e: {  	s0 =	rddreg [dreg:$0x0];
	s2 =	stileid.u32  }
0x26f: {  	s1 =	rddreg [dreg:$0x1];
	p0 =	sne.s32 s2, $0x0  }
0x270: {  	s3 =	rddreg [dreg:$0x2];
	[bflag:$0x3] =	sbarrier.arrive $0xFFFF;
	s2 =	simm.s32 @!p0 $0x1C06  }
0x271: {  	[timem:s3], [sflag:s2] =	dma.local @!p0 [hbm:s0], s1  }
0x272: {  	s0 =	simm.s32 @!p0 $0x6  }
0x273: {  	_ =	swait.ge @!p0 [sflag:s0], s1  }
0x274: {  	s1 =	ssub.s32 @!p0 $0x0, s1;
	[sflag:s0] =	ssyncset.done @!p0 $0x0  }
0x275: {  	[sflag:s0] =	ssyncadd.s32 @!p0 s1  }
0x276: {  	[bflag:$0x3] =	sbarrier.arrive $0xFFFF  }
0x277: {  	_ =	shalt  }

</sc_bundles>
